<compile_context>
chip_gen: v7x
topology: tpu7x:2x2x1
jax: 0.10.2.dev20260603
libtpu: 0.0.44.dev20260713+nightly
codegen_flags: <defaults>
</compile_context>

<pallas_src>
import functools

import jax
import jax.numpy as jnp
import numpy as np
from jax import lax
from jax.experimental import pallas as pl
from jax.experimental.pallas import tpu as pltpu
from jax.experimental.pallas import tpu_sc as plsc

_MAX_DEGREE = 10000.0
_K = 128
_L = 16
_NC = 2
_NS = 16
_NW = _NC * _NS

_QV = np.linspace(0.0, _MAX_DEGREE, _K).astype(np.float32)
_CS = np.cumsum(_QV, dtype=np.float32)
_RS = np.concatenate([_QV[1:], _QV[:1]]).astype(np.float32)
_RINV = (1.0 / (_RS + np.float32(1e-10)).astype(np.float32)).astype(np.float32)


@functools.cache
def _build(b, s):
    n = b * s
    npw = n // _NW
    rows = b // _NW
    vpr = s // _L
    nv = npw // _L

    mesh = plsc.VectorSubcoreMesh(core_axis_name="c", subcore_axis_name="s")

    @functools.partial(
        pl.kernel,
        mesh=mesh,
        out_type=jax.ShapeDtypeStruct((b, 2, s), jnp.float32),
        scratch_types=[
            pltpu.VMEM((npw,), jnp.float32),
            pltpu.VMEM((2 * npw,), jnp.float32),
            pltpu.VMEM((_K,), jnp.float32),
            pltpu.VMEM((_K,), jnp.float32),
            pltpu.SemaphoreType.DMA,
            pltpu.SemaphoreType.DMA,
            pltpu.SemaphoreType.DMA,
            pltpu.SemaphoreType.DMA,
        ],
        compiler_params=pltpu.CompilerParams(needs_layout_passes=False),
    )
    def run(deg_hbm, cs_hbm, ri_hbm, out_hbm, d_buf, o_buf, cs_buf, ri_buf,
            sem_a, sem_b, sem_c, sem_o):
        wid = lax.axis_index("s") * _NC + lax.axis_index("c")
        base = wid * npw
        c1 = pltpu.async_copy(cs_hbm, cs_buf, sem_a)
        c2 = pltpu.async_copy(ri_hbm, ri_buf, sem_b)
        c3 = pltpu.async_copy(deg_hbm.at[pl.ds(base, npw)], d_buf, sem_c)
        c1.wait()
        c2.wait()
        c3.wait()

        @plsc.parallel_loop(0, nv, step=1, unroll=8)
        def body(j):
            d = d_buf[pl.ds(j * _L, _L)]
            ge = d >= float(_CS[64])
            k = jnp.where(ge, 64, 0)
            v = jnp.where(ge, float(_CS[96]), float(_CS[32]))
            k = jnp.where(d >= v, k + 32, k)
            for st in (16, 8, 4, 2, 1):
                cand = k + st
                v = plsc.load_gather(cs_buf, [cand])
                k = jnp.where(d >= v, cand, k)
            start = plsc.load_gather(cs_buf, [k])
            rinv = plsc.load_gather(ri_buf, [k])
            idx = jnp.where(d >= 0.0, k, -1)
            rate = (d - start) * rinv
            rate = jnp.minimum(jnp.maximum(rate, 0.0), 1.0)
            off = (j // vpr) * (2 * s) + (j % vpr) * _L
            o_buf[pl.ds(off, _L)] = idx.astype(jnp.float32)
            o_buf[pl.ds(off + s, _L)] = rate

        out_copies = []
        for r in range(rows):
            row = wid * rows + r
            out_copies.append(pltpu.async_copy(
                o_buf.at[pl.ds(r * 2 * s, s)], out_hbm.at[row, 0], sem_o))
            out_copies.append(pltpu.async_copy(
                o_buf.at[pl.ds(r * 2 * s + s, s)], out_hbm.at[row, 1], sem_o))
        for c in out_copies:
            c.wait()

    return run


def kernel(degrees):
    b, s, _ = degrees.shape
    flat = degrees.reshape(b * s)
    out = _build(b, s)(flat, jnp.asarray(_CS), jnp.asarray(_RINV))
    return jnp.swapaxes(out, 1, 2)

# --- scband reference (transcript-rebuilt; emitter-appended) ---
"""Pipeline reference for scband-degree-quantile-converter-44401371906122 (READ-ONLY COPY).

The authoritative reference and input builder live on the scoring server;
editing this copy changes nothing except your own understanding.
"""

import jax, jax.numpy as jnp
import numpy as np

MAX_DEGREE = 10000
NUM_QUANTILES = 128

def _buffers():
    qv = jnp.linspace(0.0, float(MAX_DEGREE), NUM_QUANTILES).astype(jnp.float32)
    cumsum = jnp.cumsum(qv)
    residual = jnp.concatenate([qv[1:], qv[:1]], axis=0)
    return cumsum, residual

def setup_inputs(seed: int = 0) -> dict:
    key = jax.random.key(seed)
    degrees = jax.random.uniform(key, (128, 4096, 1), dtype=jnp.float32)
    return {"degrees": degrees}

def reference(degrees):
    cumsum, residual = _buffers()
    B, S, _ = degrees.shape
    k = cumsum.shape[0]
    # mask: (B, S, k) broadcast compare against cumulative quantile boundaries
    mask = degrees >= cumsum.reshape(1, 1, k)
    interval_indices = jnp.sum(mask.astype(jnp.int32), axis=-1) - 1  # (B, S)
    interval_start = jnp.take(cumsum, interval_indices, axis=0)     # gather (B, S)
    next_residual = jnp.take(residual, interval_indices, axis=0)    # gather (B, S)
    rate = (degrees[..., 0] - interval_start) / (next_residual + 1e-10)
    rate = jnp.clip(rate, 0.0, 1.0)
    result = jnp.stack([interval_indices.astype(jnp.float32), rate], axis=-1)  # (B, S, 2)
    return result

if __name__ == "__main__":
    import jax
    _d = setup_inputs()
    print(jax.jit(kernel)(*tuple(_d.values())))

</pallas_src>

<mosaic_0001>
#map = affine_map<(d0, d1) -> (0)>
#map1 = affine_map<(d0, d1) -> (0, 0, 0)>
module attributes {stable_mosaic.version = 14 : i64} {
  func.func @run(%arg0: i32, %arg1: i32, %arg2: memref<524288xf32, #tpu.memory_space<hbm>>, %arg3: memref<128xf32, #tpu.memory_space<hbm>>, %arg4: memref<128xf32, #tpu.memory_space<hbm>>, %arg5: memref<128x2x4096xf32, #tpu.memory_space<hbm>>, %arg6: memref<16384xf32, #tpu.memory_space<vmem>>, %arg7: memref<32768xf32, #tpu.memory_space<vmem>>, %arg8: memref<128xf32, #tpu.memory_space<vmem>>, %arg9: memref<128xf32, #tpu.memory_space<vmem>>, %arg10: memref<!tpu.dma_semaphore, #tpu.memory_space<semaphore_mem>>, %arg11: memref<!tpu.dma_semaphore, #tpu.memory_space<semaphore_mem>>, %arg12: memref<!tpu.dma_semaphore, #tpu.memory_space<semaphore_mem>>, %arg13: memref<!tpu.dma_semaphore, #tpu.memory_space<semaphore_mem>>) attributes {dimension_semantics = [#tpu.dimension_semantics<core_parallel>, #tpu.dimension_semantics<subcore_parallel>], iteration_bounds = array<i64: 2, 16>, scalar_prefetch = 0 : i64, scratch_operands = 8 : i64, tpu.core_type = #tpu.core_type<sc_vector_subcore>, window_params = [{transform_indices = #map}, {transform_indices = #map}, {transform_indices = #map}, {transform_indices = #map1}]} {
    %mul3A = arith.constant 2 : i32
    %mul3A_0 = arith.muli %arg1, %mul3A : i32
    %add3A = arith.addi %mul3A_0, %arg0 : i32
    %mul3A_1 = arith.constant 16384 : i32
    %mul3A_2 = arith.muli %add3A, %mul3A_1 : i32
    tpu.enqueue_dma source(%arg3 : memref<128xf32, #tpu.memory_space<hbm>>) target(%arg8 : memref<128xf32, #tpu.memory_space<vmem>>) target_semaphore(%arg10 : memref<!tpu.dma_semaphore, #tpu.memory_space<semaphore_mem>>)
    tpu.enqueue_dma source(%arg4 : memref<128xf32, #tpu.memory_space<hbm>>) target(%arg9 : memref<128xf32, #tpu.memory_space<vmem>>) target_semaphore(%arg11 : memref<!tpu.dma_semaphore, #tpu.memory_space<semaphore_mem>>)
    %dma_start3A = tpu.memref_slice %arg2[%mul3A_2] : memref<524288xf32, #tpu.memory_space<hbm>> -> memref<16384xf32, #tpu.memory_space<hbm>>
    %dma_start3A_3 = tpu.memref_slice %arg2[%mul3A_2] : memref<524288xf32, #tpu.memory_space<hbm>> -> memref<16384xf32, #tpu.memory_space<hbm>>
    tpu.enqueue_dma source(%dma_start3A_3 : memref<16384xf32, #tpu.memory_space<hbm>>) target(%arg6 : memref<16384xf32, #tpu.memory_space<vmem>>) target_semaphore(%arg12 : memref<!tpu.dma_semaphore, #tpu.memory_space<semaphore_mem>>)
    tpu.wait_dma2 semaphore(%arg10 : memref<!tpu.dma_semaphore, #tpu.memory_space<semaphore_mem>>) src(%arg3 : memref<128xf32, #tpu.memory_space<hbm>>) dst(%arg8 : memref<128xf32, #tpu.memory_space<vmem>>)
    tpu.wait_dma2 semaphore(%arg11 : memref<!tpu.dma_semaphore, #tpu.memory_space<semaphore_mem>>) src(%arg4 : memref<128xf32, #tpu.memory_space<hbm>>) dst(%arg9 : memref<128xf32, #tpu.memory_space<vmem>>)
    %dma_wait3A = tpu.memref_slice %arg2[%mul3A_2] : memref<524288xf32, #tpu.memory_space<hbm>> -> memref<16384xf32, #tpu.memory_space<hbm>>
    %dma_wait3A_4 = tpu.memref_slice %arg2[%mul3A_2] : memref<524288xf32, #tpu.memory_space<hbm>> -> memref<16384xf32, #tpu.memory_space<hbm>>
    tpu.wait_dma2 semaphore(%arg12 : memref<!tpu.dma_semaphore, #tpu.memory_space<semaphore_mem>>) src(%dma_wait3A_4 : memref<16384xf32, #tpu.memory_space<hbm>>) dst(%arg6 : memref<16384xf32, #tpu.memory_space<vmem>>)
    %parallel_loop3A = arith.constant 0 : i32
    %parallel_loop3A_5 = arith.constant 1024 : i32
    %parallel_loop3A_6 = arith.constant 1 : i32
    scf.for %parallel_loop3A_199 = %parallel_loop3A to %parallel_loop3A_5 step %parallel_loop3A_6  : i32 {
      %parallel_loop3A_200 = arith.constant 16 : i32
      %parallel_loop3A_201 = arith.muli %parallel_loop3A_199, %parallel_loop3A_200 : i32
      %parallel_loop3A_202 = arith.index_cast %parallel_loop3A_201 : i32 to index
      %parallel_loop3A_203 = tpu.vector_load %arg6[%parallel_loop3A_202] {strides = array<i32>} : memref<16384xf32, #tpu.memory_space<vmem>>, vector<16xf32>,
      %parallel_loop3A_204 = arith.constant 163779.531 : f32
      %parallel_loop3A_205 = vector.broadcast %parallel_loop3A_204 : f32 to vector<16xf32>
      %parallel_loop3A_206 = arith.cmpf oge, %parallel_loop3A_203, %parallel_loop3A_205 : vector<16xf32>
      %parallel_loop3A_207 = arith.constant 64 : i32
      %parallel_loop3A_208 = arith.constant 0 : i32
      %parallel_loop3A_209 = vector.broadcast %parallel_loop3A_207 : i32 to vector<16xi32>
      %parallel_loop3A_210 = vector.broadcast %parallel_loop3A_208 : i32 to vector<16xi32>
      %parallel_loop3A_211 = arith.select %parallel_loop3A_206, %parallel_loop3A_209, %parallel_loop3A_210 : vector<16xi1>, vector<16xi32>
      %parallel_loop3A_212 = arith.constant 366614.188 : f32
      %parallel_loop3A_213 = arith.constant 4.157480e+04 : f32
      %parallel_loop3A_214 = vector.broadcast %parallel_loop3A_212 : f32 to vector<16xf32>
      %parallel_loop3A_215 = vector.broadcast %parallel_loop3A_213 : f32 to vector<16xf32>
      %parallel_loop3A_216 = arith.select %parallel_loop3A_206, %parallel_loop3A_214, %parallel_loop3A_215 : vector<16xi1>, vector<16xf32>
      %parallel_loop3A_217 = arith.cmpf oge, %parallel_loop3A_203, %parallel_loop3A_216 : vector<16xf32>
      %parallel_loop3A_218 = arith.constant 32 : i32
      %parallel_loop3A_219 = vector.broadcast %parallel_loop3A_218 : i32 to vector<16xi32>
      %parallel_loop3A_220 = arith.addi %parallel_loop3A_211, %parallel_loop3A_219 : vector<16xi32>
      %parallel_loop3A_221 = arith.select %parallel_loop3A_217, %parallel_loop3A_220, %parallel_loop3A_211 : vector<16xi1>, vector<16xi32>
      %parallel_loop3A_222 = arith.constant 16 : i32
      %parallel_loop3A_223 = vector.broadcast %parallel_loop3A_222 : i32 to vector<16xi32>
      %parallel_loop3A_224 = arith.addi %parallel_loop3A_221, %parallel_loop3A_223 : vector<16xi32>
      %parallel_loop3A_225 = tpu.vector_load_idx %arg8[%parallel_loop3A_224] : memref<128xf32, #tpu.memory_space<vmem>>[vector<16xi32>], vector<16xf32>,
      %parallel_loop3A_226 = arith.cmpf oge, %parallel_loop3A_203, %parallel_loop3A_225 : vector<16xf32>
      %parallel_loop3A_227 = arith.select %parallel_loop3A_226, %parallel_loop3A_224, %parallel_loop3A_221 : vector<16xi1>, vector<16xi32>
      %parallel_loop3A_228 = arith.constant 8 : i32
      %parallel_loop3A_229 = vector.broadcast %parallel_loop3A_228 : i32 to vector<16xi32>
      %parallel_loop3A_230 = arith.addi %parallel_loop3A_227, %parallel_loop3A_229 : vector<16xi32>
      %parallel_loop3A_231 = tpu.vector_load_idx %arg8[%parallel_loop3A_230] : memref<128xf32, #tpu.memory_space<vmem>>[vector<16xi32>], vector<16xf32>,
      %parallel_loop3A_232 = arith.cmpf oge, %parallel_loop3A_203, %parallel_loop3A_231 : vector<16xf32>
      %parallel_loop3A_233 = arith.select %parallel_loop3A_232, %parallel_loop3A_230, %parallel_loop3A_227 : vector<16xi1>, vector<16xi32>
      %parallel_loop3A_234 = arith.constant 4 : i32
      %parallel_loop3A_235 = vector.broadcast %parallel_loop3A_234 : i32 to vector<16xi32>
      %parallel_loop3A_236 = arith.addi %parallel_loop3A_233, %parallel_loop3A_235 : vector<16xi32>
      %parallel_loop3A_237 = tpu.vector_load_idx %arg8[%parallel_loop3A_236] : memref<128xf32, #tpu.memory_space<vmem>>[vector<16xi32>], vector<16xf32>,
      %parallel_loop3A_238 = arith.cmpf oge, %parallel_loop3A_203, %parallel_loop3A_237 : vector<16xf32>
      %parallel_loop3A_239 = arith.select %parallel_loop3A_238, %parallel_loop3A_236, %parallel_loop3A_233 : vector<16xi1>, vector<16xi32>
      %parallel_loop3A_240 = arith.constant 2 : i32
      %parallel_loop3A_241 = vector.broadcast %parallel_loop3A_240 : i32 to vector<16xi32>
      %parallel_loop3A_242 = arith.addi %parallel_loop3A_239, %parallel_loop3A_241 : vector<16xi32>
      %parallel_loop3A_243 = tpu.vector_load_idx %arg8[%parallel_loop3A_242] : memref<128xf32, #tpu.memory_space<vmem>>[vector<16xi32>], vector<16xf32>,
      %parallel_loop3A_244 = arith.cmpf oge, %parallel_loop3A_203, %parallel_loop3A_243 : vector<16xf32>
      %parallel_loop3A_245 = arith.select %parallel_loop3A_244, %parallel_loop3A_242, %parallel_loop3A_239 : vector<16xi1>, vector<16xi32>
      %parallel_loop3A_246 = arith.constant 1 : i32
      %parallel_loop3A_247 = vector.broadcast %parallel_loop3A_246 : i32 to vector<16xi32>
      %parallel_loop3A_248 = arith.addi %parallel_loop3A_245, %parallel_loop3A_247 : vector<16xi32>
      %parallel_loop3A_249 = tpu.vector_load_idx %arg8[%parallel_loop3A_248] : memref<128xf32, #tpu.memory_space<vmem>>[vector<16xi32>], vector<16xf32>,
      %parallel_loop3A_250 = arith.cmpf oge, %parallel_loop3A_203, %parallel_loop3A_249 : vector<16xf32>
      %parallel_loop3A_251 = arith.select %parallel_loop3A_250, %parallel_loop3A_248, %parallel_loop3A_245 : vector<16xi1>, vector<16xi32>
      %parallel_loop3A_252 = tpu.vector_load_idx %arg8[%parallel_loop3A_251] : memref<128xf32, #tpu.memory_space<vmem>>[vector<16xi32>], vector<16xf32>,
      %parallel_loop3A_253 = tpu.vector_load_idx %arg9[%parallel_loop3A_251] : memref<128xf32, #tpu.memory_space<vmem>>[vector<16xi32>], vector<16xf32>,
      %parallel_loop3A_254 = arith.constant 0.000000e+00 : f32
      %parallel_loop3A_255 = vector.broadcast %parallel_loop3A_254 : f32 to vector<16xf32>
      %parallel_loop3A_256 = arith.cmpf oge, %parallel_loop3A_203, %parallel_loop3A_255 : vector<16xf32>
      %parallel_loop3A_257 = arith.constant -1 : i32
      %parallel_loop3A_258 = vector.broadcast %parallel_loop3A_257 : i32 to vector<16xi32>
      %parallel_loop3A_259 = arith.select %parallel_loop3A_256, %parallel_loop3A_251, %parallel_loop3A_258 : vector<16xi1>, vector<16xi32>
      %parallel_loop3A_260 = arith.subf %parallel_loop3A_203, %parallel_loop3A_252 : vector<16xf32>
      %parallel_loop3A_261 = arith.mulf %parallel_loop3A_260, %parallel_loop3A_253 : vector<16xf32>
      %parallel_loop3A_262 = arith.constant 0.000000e+00 : f32
      %parallel_loop3A_263 = vector.broadcast %parallel_loop3A_262 : f32 to vector<16xf32>
      %parallel_loop3A_264 = arith.maximumf %parallel_loop3A_261, %parallel_loop3A_263 : vector<16xf32>
      %parallel_loop3A_265 = arith.constant 1.000000e+00 : f32
      %parallel_loop3A_266 = vector.broadcast %parallel_loop3A_265 : f32 to vector<16xf32>
      %parallel_loop3A_267 = arith.minimumf %parallel_loop3A_264, %parallel_loop3A_266 : vector<16xf32>
      %parallel_loop3A_268 = arith.constant 256 : i32
      %parallel_loop3A_269 = arith.divsi %parallel_loop3A_199, %parallel_loop3A_268 : i32
      %parallel_loop3A_270 = arith.constant 0 : i32
      %parallel_loop3A_271 = arith.cmpi sgt, %parallel_loop3A_199, %parallel_loop3A_270 : i32
      %parallel_loop3A_272 = arith.extui %parallel_loop3A_271 : i1 to i32
      %parallel_loop3A_273 = arith.constant 0 : i32
      %parallel_loop3A_274 = arith.cmpi slt, %parallel_loop3A_199, %parallel_loop3A_273 : i32
      %parallel_loop3A_275 = arith.extui %parallel_loop3A_274 : i1 to i32
      %parallel_loop3A_276 = arith.subi %parallel_loop3A_272, %parallel_loop3A_275 : i32
      %parallel_loop3A_277 = arith.constant 0 : i32
      %parallel_loop3A_278 = arith.cmpi sgt, %parallel_loop3A_268, %parallel_loop3A_277 : i32
      %parallel_loop3A_279 = arith.extui %parallel_loop3A_278 : i1 to i32
      %parallel_loop3A_280 = arith.constant 0 : i32
      %parallel_loop3A_281 = arith.cmpi slt, %parallel_loop3A_268, %parallel_loop3A_280 : i32
      %parallel_loop3A_282 = arith.extui %parallel_loop3A_281 : i1 to i32
      %parallel_loop3A_283 = arith.subi %parallel_loop3A_279, %parallel_loop3A_282 : i32
      %parallel_loop3A_284 = arith.cmpi ne, %parallel_loop3A_276, %parallel_loop3A_283 : i32
      %parallel_loop3A_285 = arith.remsi %parallel_loop3A_199, %parallel_loop3A_268 : i32
      %parallel_loop3A_286 = arith.constant 0 : i32
      %parallel_loop3A_287 = arith.cmpi ne, %parallel_loop3A_285, %parallel_loop3A_286 : i32
      %parallel_loop3A_288 = arith.andi %parallel_loop3A_284, %parallel_loop3A_287 : i1
      %parallel_loop3A_289 = arith.constant 1 : i32
      %parallel_loop3A_290 = arith.subi %parallel_loop3A_269, %parallel_loop3A_289 : i32
      %parallel_loop3A_291 = arith.select %parallel_loop3A_288, %parallel_loop3A_290, %parallel_loop3A_269 : i32
      %parallel_loop3A_292 = arith.constant 8192 : i32
      %parallel_loop3A_293 = arith.muli %parallel_loop3A_291, %parallel_loop3A_292 : i32
      %parallel_loop3A_294 = arith.constant 256 : i32
      %parallel_loop3A_295 = arith.constant 0 : i32
      %parallel_loop3A_296 = arith.cmpi eq, %parallel_loop3A_294, %parallel_loop3A_295 : i32
      %parallel_loop3A_297 = arith.constant 1 : i32
      %parallel_loop3A_298 = arith.select %parallel_loop3A_296, %parallel_loop3A_297, %parallel_loop3A_294 : i32
      %parallel_loop3A_299 = arith.remsi %parallel_loop3A_199, %parallel_loop3A_298 : i32
      %parallel_loop3A_300 = arith.constant 0 : i32
      %parallel_loop3A_301 = arith.cmpi ne, %parallel_loop3A_299, %parallel_loop3A_300 : i32
      %parallel_loop3A_302 = arith.constant 0 : i32
      %parallel_loop3A_303 = arith.cmpi slt, %parallel_loop3A_299, %parallel_loop3A_302 : i32
      %parallel_loop3A_304 = arith.constant 0 : i32
      %parallel_loop3A_305 = arith.cmpi slt, %parallel_loop3A_298, %parallel_loop3A_304 : i32
      %parallel_loop3A_306 = arith.xori %parallel_loop3A_303, %parallel_loop3A_305 : i1
      %parallel_loop3A_307 = arith.andi %parallel_loop3A_306, %parallel_loop3A_301 : i1
      %parallel_loop3A_308 = arith.addi %parallel_loop3A_299, %parallel_loop3A_298 : i32
      %parallel_loop3A_309 = arith.select %parallel_loop3A_307, %parallel_loop3A_308, %parallel_loop3A_299 : i32
      %parallel_loop3A_310 = arith.constant 16 : i32
      %parallel_loop3A_311 = arith.muli %parallel_loop3A_309, %parallel_loop3A_310 : i32
      %parallel_loop3A_312 = arith.addi %parallel_loop3A_293, %parallel_loop3A_311 : i32
      %parallel_loop3A_313 = arith.sitofp %parallel_loop3A_259 : vector<16xi32> to vector<16xf32>
      %parallel_loop3A_314 = arith.index_cast %parallel_loop3A_312 : i32 to index
      %parallel_loop3A_315 = tpu.vector_load %arg7[%parallel_loop3A_314] {strides = array<i32>} : memref<32768xf32, #tpu.memory_space<vmem>>, vector<16xf32>,
      tpu.vector_store %arg7[%parallel_loop3A_314], %parallel_loop3A_313 {strides = array<i32>} : memref<32768xf32, #tpu.memory_space<vmem>>, vector<16xf32>,
      %parallel_loop3A_316 = arith.constant 4096 : i32
      %parallel_loop3A_317 = arith.addi %parallel_loop3A_312, %parallel_loop3A_316 : i32
      %parallel_loop3A_318 = arith.index_cast %parallel_loop3A_317 : i32 to index
      %parallel_loop3A_319 = tpu.vector_load %arg7[%parallel_loop3A_318] {strides = array<i32>} : memref<32768xf32, #tpu.memory_space<vmem>>, vector<16xf32>,
      tpu.vector_store %arg7[%parallel_loop3A_318], %parallel_loop3A_267 {strides = array<i32>} : memref<32768xf32, #tpu.memory_space<vmem>>, vector<16xf32>,
    } {sc.loop_unroll_factor = 8 : i64, sc.parallel_access}
    %mul3A_7 = arith.constant 4 : i32
    %mul3A_8 = arith.muli %add3A, %mul3A_7 : i32
    %add3A_9 = arith.constant 0 : i32
    %add3A_10 = arith.addi %mul3A_8, %add3A_9 : i32
    %dma_start3A_11 = arith.constant 0 : i32
    %dma_start3A_12 = arith.constant 0 : i32
    %dma_start3A_13 = tpu.memref_slice %arg7[%dma_start3A_12] : memref<32768xf32, #tpu.memory_space<vmem>> -> memref<4096xf32, #tpu.memory_space<vmem>>
    %dma_start3A_14 = arith.constant 0 : i32
    %dma_start3A_15 = tpu.memref_slice %arg5[%add3A_10, %dma_start3A_11, %dma_start3A_14] : memref<128x2x4096xf32, #tpu.memory_space<hbm>> -> memref<1x1x4096xf32, #tpu.memory_space<hbm>>
    %dma_start3A_16 = tpu.memref_squeeze %dma_start3A_15 : memref<1x1x4096xf32, #tpu.memory_space<hbm>> -> memref<4096xf32, #tpu.memory_space<hbm>>
    %dma_start3A_17 = arith.constant 0 : i32
    %dma_start3A_18 = tpu.memref_slice %arg5[%add3A_10, %dma_start3A_11, %dma_start3A_17] : memref<128x2x4096xf32, #tpu.memory_space<hbm>> -> memref<1x1x4096xf32, #tpu.memory_space<hbm>>
    %dma_start3A_19 = tpu.memref_squeeze %dma_start3A_18 : memref<1x1x4096xf32, #tpu.memory_space<hbm>> -> memref<4096xf32, #tpu.memory_space<hbm>>
    %dma_start3A_20 = arith.constant 0 : i32
    %dma_start3A_21 = tpu.memref_slice %arg7[%dma_start3A_20] : memref<32768xf32, #tpu.memory_space<vmem>> -> memref<4096xf32, #tpu.memory_space<vmem>>
    tpu.enqueue_dma source(%dma_start3A_21 : memref<4096xf32, #tpu.memory_space<vmem>>) target(%dma_start3A_19 : memref<4096xf32, #tpu.memory_space<hbm>>) target_semaphore(%arg13 : memref<!tpu.dma_semaphore, #tpu.memory_space<semaphore_mem>>)
    %dma_start3A_22 = arith.constant 1 : i32
    %dma_start3A_23 = arith.constant 4096 : i32
    %dma_start3A_24 = tpu.memref_slice %arg7[%dma_start3A_23] : memref<32768xf32, #tpu.memory_space<vmem>> -> memref<4096xf32, #tpu.memory_space<vmem>>
    %dma_start3A_25 = arith.constant 0 : i32
    %dma_start3A_26 = tpu.memref_slice %arg5[%add3A_10, %dma_start3A_22, %dma_start3A_25] : memref<128x2x4096xf32, #tpu.memory_space<hbm>> -> memref<1x1x4096xf32, #tpu.memory_space<hbm>>
    %dma_start3A_27 = tpu.memref_squeeze %dma_start3A_26 : memref<1x1x4096xf32, #tpu.memory_space<hbm>> -> memref<4096xf32, #tpu.memory_space<hbm>>
    %dma_start3A_28 = arith.constant 0 : i32
    %dma_start3A_29 = tpu.memref_slice %arg5[%add3A_10, %dma_start3A_22, %dma_start3A_28] : memref<128x2x4096xf32, #tpu.memory_space<hbm>> -> memref<1x1x4096xf32, #tpu.memory_space<hbm>>
    %dma_start3A_30 = tpu.memref_squeeze %dma_start3A_29 : memref<1x1x4096xf32, #tpu.memory_space<hbm>> -> memref<4096xf32, #tpu.memory_space<hbm>>
    %dma_start3A_31 = arith.constant 4096 : i32
    %dma_start3A_32 = tpu.memref_slice %arg7[%dma_start3A_31] : memref<32768xf32, #tpu.memory_space<vmem>> -> memref<4096xf32, #tpu.memory_space<vmem>>
    tpu.enqueue_dma source(%dma_start3A_32 : memref<4096xf32, #tpu.memory_space<vmem>>) target(%dma_start3A_30 : memref<4096xf32, #tpu.memory_space<hbm>>) target_semaphore(%arg13 : memref<!tpu.dma_semaphore, #tpu.memory_space<semaphore_mem>>)
    %mul3A_33 = arith.constant 4 : i32
    %mul3A_34 = arith.muli %add3A, %mul3A_33 : i32
    %add3A_35 = arith.constant 1 : i32
    %add3A_36 = arith.addi %mul3A_34, %add3A_35 : i32
    %dma_start3A_37 = arith.constant 0 : i32
    %dma_start3A_38 = arith.constant 8192 : i32
    %dma_start3A_39 = tpu.memref_slice %arg7[%dma_start3A_38] : memref<32768xf32, #tpu.memory_space<vmem>> -> memref<4096xf32, #tpu.memory_space<vmem>>
    %dma_start3A_40 = arith.constant 0 : i32
    %dma_start3A_41 = tpu.memref_slice %arg5[%add3A_36, %dma_start3A_37, %dma_start3A_40] : memref<128x2x4096xf32, #tpu.memory_space<hbm>> -> memref<1x1x4096xf32, #tpu.memory_space<hbm>>
    %dma_start3A_42 = tpu.memref_squeeze %dma_start3A_41 : memref<1x1x4096xf32, #tpu.memory_space<hbm>> -> memref<4096xf32, #tpu.memory_space<hbm>>
    %dma_start3A_43 = arith.constant 0 : i32
    %dma_start3A_44 = tpu.memref_slice %arg5[%add3A_36, %dma_start3A_37, %dma_start3A_43] : memref<128x2x4096xf32, #tpu.memory_space<hbm>> -> memref<1x1x4096xf32, #tpu.memory_space<hbm>>
    %dma_start3A_45 = tpu.memref_squeeze %dma_start3A_44 : memref<1x1x4096xf32, #tpu.memory_space<hbm>> -> memref<4096xf32, #tpu.memory_space<hbm>>
    %dma_start3A_46 = arith.constant 8192 : i32
    %dma_start3A_47 = tpu.memref_slice %arg7[%dma_start3A_46] : memref<32768xf32, #tpu.memory_space<vmem>> -> memref<4096xf32, #tpu.memory_space<vmem>>
    tpu.enqueue_dma source(%dma_start3A_47 : memref<4096xf32, #tpu.memory_space<vmem>>) target(%dma_start3A_45 : memref<4096xf32, #tpu.memory_space<hbm>>) target_semaphore(%arg13 : memref<!tpu.dma_semaphore, #tpu.memory_space<semaphore_mem>>)
    %dma_start3A_48 = arith.constant 1 : i32
    %dma_start3A_49 = arith.constant 12288 : i32
    %dma_start3A_50 = tpu.memref_slice %arg7[%dma_start3A_49] : memref<32768xf32, #tpu.memory_space<vmem>> -> memref<4096xf32, #tpu.memory_space<vmem>>
    %dma_start3A_51 = arith.constant 0 : i32
    %dma_start3A_52 = tpu.memref_slice %arg5[%add3A_36, %dma_start3A_48, %dma_start3A_51] : memref<128x2x4096xf32, #tpu.memory_space<hbm>> -> memref<1x1x4096xf32, #tpu.memory_space<hbm>>
    %dma_start3A_53 = tpu.memref_squeeze %dma_start3A_52 : memref<1x1x4096xf32, #tpu.memory_space<hbm>> -> memref<4096xf32, #tpu.memory_space<hbm>>
    %dma_start3A_54 = arith.constant 0 : i32
    %dma_start3A_55 = tpu.memref_slice %arg5[%add3A_36, %dma_start3A_48, %dma_start3A_54] : memref<128x2x4096xf32, #tpu.memory_space<hbm>> -> memref<1x1x4096xf32, #tpu.memory_space<hbm>>
    %dma_start3A_56 = tpu.memref_squeeze %dma_start3A_55 : memref<1x1x4096xf32, #tpu.memory_space<hbm>> -> memref<4096xf32, #tpu.memory_space<hbm>>
    %dma_start3A_57 = arith.constant 12288 : i32
    %dma_start3A_58 = tpu.memref_slice %arg7[%dma_start3A_57] : memref<32768xf32, #tpu.memory_space<vmem>> -> memref<4096xf32, #tpu.memory_space<vmem>>
    tpu.enqueue_dma source(%dma_start3A_58 : memref<4096xf32, #tpu.memory_space<vmem>>) target(%dma_start3A_56 : memref<4096xf32, #tpu.memory_space<hbm>>) target_semaphore(%arg13 : memref<!tpu.dma_semaphore, #tpu.memory_space<semaphore_mem>>)
    %mul3A_59 = arith.constant 4 : i32
    %mul3A_60 = arith.muli %add3A, %mul3A_59 : i32
    %add3A_61 = arith.constant 2 : i32
    %add3A_62 = arith.addi %mul3A_60, %add3A_61 : i32
    %dma_start3A_63 = arith.constant 0 : i32
    %dma_start3A_64 = arith.constant 16384 : i32
    %dma_start3A_65 = tpu.memref_slice %arg7[%dma_start3A_64] : memref<32768xf32, #tpu.memory_space<vmem>> -> memref<4096xf32, #tpu.memory_space<vmem>>
    %dma_start3A_66 = arith.constant 0 : i32
    %dma_start3A_67 = tpu.memref_slice %arg5[%add3A_62, %dma_start3A_63, %dma_start3A_66] : memref<128x2x4096xf32, #tpu.memory_space<hbm>> -> memref<1x1x4096xf32, #tpu.memory_space<hbm>>
    %dma_start3A_68 = tpu.memref_squeeze %dma_start3A_67 : memref<1x1x4096xf32, #tpu.memory_space<hbm>> -> memref<4096xf32, #tpu.memory_space<hbm>>
    %dma_start3A_69 = arith.constant 0 : i32
    %dma_start3A_70 = tpu.memref_slice %arg5[%add3A_62, %dma_start3A_63, %dma_start3A_69] : memref<128x2x4096xf32, #tpu.memory_space<hbm>> -> memref<1x1x4096xf32, #tpu.memory_space<hbm>>
    %dma_start3A_71 = tpu.memref_squeeze %dma_start3A_70 : memref<1x1x4096xf32, #tpu.memory_space<hbm>> -> memref<4096xf32, #tpu.memory_space<hbm>>
    %dma_start3A_72 = arith.constant 16384 : i32
    %dma_start3A_73 = tpu.memref_slice %arg7[%dma_start3A_72] : memref<32768xf32, #tpu.memory_space<vmem>> -> memref<4096xf32, #tpu.memory_space<vmem>>
    tpu.enqueue_dma source(%dma_start3A_73 : memref<4096xf32, #tpu.memory_space<vmem>>) target(%dma_start3A_71 : memref<4096xf32, #tpu.memory_space<hbm>>) target_semaphore(%arg13 : memref<!tpu.dma_semaphore, #tpu.memory_space<semaphore_mem>>)
    %dma_start3A_74 = arith.constant 1 : i32
    %dma_start3A_75 = arith.constant 20480 : i32
    %dma_start3A_76 = tpu.memref_slice %arg7[%dma_start3A_75] : memref<32768xf32, #tpu.memory_space<vmem>> -> memref<4096xf32, #tpu.memory_space<vmem>>
    %dma_start3A_77 = arith.constant 0 : i32
    %dma_start3A_78 = tpu.memref_slice %arg5[%add3A_62, %dma_start3A_74, %dma_start3A_77] : memref<128x2x4096xf32, #tpu.memory_space<hbm>> -> memref<1x1x4096xf32, #tpu.memory_space<hbm>>
    %dma_start3A_79 = tpu.memref_squeeze %dma_start3A_78 : memref<1x1x4096xf32, #tpu.memory_space<hbm>> -> memref<4096xf32, #tpu.memory_space<hbm>>
    %dma_start3A_80 = arith.constant 0 : i32
    %dma_start3A_81 = tpu.memref_slice %arg5[%add3A_62, %dma_start3A_74, %dma_start3A_80] : memref<128x2x4096xf32, #tpu.memory_space<hbm>> -> memref<1x1x4096xf32, #tpu.memory_space<hbm>>
    %dma_start3A_82 = tpu.memref_squeeze %dma_start3A_81 : memref<1x1x4096xf32, #tpu.memory_space<hbm>> -> memref<4096xf32, #tpu.memory_space<hbm>>
    %dma_start3A_83 = arith.constant 20480 : i32
    %dma_start3A_84 = tpu.memref_slice %arg7[%dma_start3A_83] : memref<32768xf32, #tpu.memory_space<vmem>> -> memref<4096xf32, #tpu.memory_space<vmem>>
    tpu.enqueue_dma source(%dma_start3A_84 : memref<4096xf32, #tpu.memory_space<vmem>>) target(%dma_start3A_82 : memref<4096xf32, #tpu.memory_space<hbm>>) target_semaphore(%arg13 : memref<!tpu.dma_semaphore, #tpu.memory_space<semaphore_mem>>)
    %mul3A_85 = arith.constant 4 : i32
    %mul3A_86 = arith.muli %add3A, %mul3A_85 : i32
    %add3A_87 = arith.constant 3 : i32
    %add3A_88 = arith.addi %mul3A_86, %add3A_87 : i32
    %dma_start3A_89 = arith.constant 0 : i32
    %dma_start3A_90 = arith.constant 24576 : i32
    %dma_start3A_91 = tpu.memref_slice %arg7[%dma_start3A_90] : memref<32768xf32, #tpu.memory_space<vmem>> -> memref<4096xf32, #tpu.memory_space<vmem>>
    %dma_start3A_92 = arith.constant 0 : i32
    %dma_start3A_93 = tpu.memref_slice %arg5[%add3A_88, %dma_start3A_89, %dma_start3A_92] : memref<128x2x4096xf32, #tpu.memory_space<hbm>> -> memref<1x1x4096xf32, #tpu.memory_space<hbm>>
    %dma_start3A_94 = tpu.memref_squeeze %dma_start3A_93 : memref<1x1x4096xf32, #tpu.memory_space<hbm>> -> memref<4096xf32, #tpu.memory_space<hbm>>
    %dma_start3A_95 = arith.constant 0 : i32
    %dma_start3A_96 = tpu.memref_slice %arg5[%add3A_88, %dma_start3A_89, %dma_start3A_95] : memref<128x2x4096xf32, #tpu.memory_space<hbm>> -> memref<1x1x4096xf32, #tpu.memory_space<hbm>>
    %dma_start3A_97 = tpu.memref_squeeze %dma_start3A_96 : memref<1x1x4096xf32, #tpu.memory_space<hbm>> -> memref<4096xf32, #tpu.memory_space<hbm>>
    %dma_start3A_98 = arith.constant 24576 : i32
    %dma_start3A_99 = tpu.memref_slice %arg7[%dma_start3A_98] : memref<32768xf32, #tpu.memory_space<vmem>> -> memref<4096xf32, #tpu.memory_space<vmem>>
    tpu.enqueue_dma source(%dma_start3A_99 : memref<4096xf32, #tpu.memory_space<vmem>>) target(%dma_start3A_97 : memref<4096xf32, #tpu.memory_space<hbm>>) target_semaphore(%arg13 : memref<!tpu.dma_semaphore, #tpu.memory_space<semaphore_mem>>)
    %dma_start3A_100 = arith.constant 1 : i32
    %dma_start3A_101 = arith.constant 28672 : i32
    %dma_start3A_102 = tpu.memref_slice %arg7[%dma_start3A_101] : memref<32768xf32, #tpu.memory_space<vmem>> -> memref<4096xf32, #tpu.memory_space<vmem>>
    %dma_start3A_103 = arith.constant 0 : i32
    %dma_start3A_104 = tpu.memref_slice %arg5[%add3A_88, %dma_start3A_100, %dma_start3A_103] : memref<128x2x4096xf32, #tpu.memory_space<hbm>> -> memref<1x1x4096xf32, #tpu.memory_space<hbm>>
    %dma_start3A_105 = tpu.memref_squeeze %dma_start3A_104 : memref<1x1x4096xf32, #tpu.memory_space<hbm>> -> memref<4096xf32, #tpu.memory_space<hbm>>
    %dma_start3A_106 = arith.constant 0 : i32
    %dma_start3A_107 = tpu.memref_slice %arg5[%add3A_88, %dma_start3A_100, %dma_start3A_106] : memref<128x2x4096xf32, #tpu.memory_space<hbm>> -> memref<1x1x4096xf32, #tpu.memory_space<hbm>>
    %dma_start3A_108 = tpu.memref_squeeze %dma_start3A_107 : memref<1x1x4096xf32, #tpu.memory_space<hbm>> -> memref<4096xf32, #tpu.memory_space<hbm>>
    %dma_start3A_109 = arith.constant 28672 : i32
    %dma_start3A_110 = tpu.memref_slice %arg7[%dma_start3A_109] : memref<32768xf32, #tpu.memory_space<vmem>> -> memref<4096xf32, #tpu.memory_space<vmem>>
    tpu.enqueue_dma source(%dma_start3A_110 : memref<4096xf32, #tpu.memory_space<vmem>>) target(%dma_start3A_108 : memref<4096xf32, #tpu.memory_space<hbm>>) target_semaphore(%arg13 : memref<!tpu.dma_semaphore, #tpu.memory_space<semaphore_mem>>)
    %dma_wait3A_111 = arith.constant 0 : i32
    %dma_wait3A_112 = arith.constant 0 : i32
    %dma_wait3A_113 = tpu.memref_slice %arg7[%dma_wait3A_112] : memref<32768xf32, #tpu.memory_space<vmem>> -> memref<4096xf32, #tpu.memory_space<vmem>>
    %dma_wait3A_114 = arith.constant 0 : i32
    %dma_wait3A_115 = tpu.memref_slice %arg5[%add3A_10, %dma_wait3A_111, %dma_wait3A_114] : memref<128x2x4096xf32, #tpu.memory_space<hbm>> -> memref<1x1x4096xf32, #tpu.memory_space<hbm>>
    %dma_wait3A_116 = tpu.memref_squeeze %dma_wait3A_115 : memref<1x1x4096xf32, #tpu.memory_space<hbm>> -> memref<4096xf32, #tpu.memory_space<hbm>>
    %dma_wait3A_117 = arith.constant 0 : i32
    %dma_wait3A_118 = tpu.memref_slice %arg5[%add3A_10, %dma_wait3A_111, %dma_wait3A_117] : memref<128x2x4096xf32, #tpu.memory_space<hbm>> -> memref<1x1x4096xf32, #tpu.memory_space<hbm>>
    %dma_wait3A_119 = tpu.memref_squeeze %dma_wait3A_118 : memref<1x1x4096xf32, #tpu.memory_space<hbm>> -> memref<4096xf32, #tpu.memory_space<hbm>>
    %dma_wait3A_120 = arith.constant 0 : i32
    %dma_wait3A_121 = tpu.memref_slice %arg7[%dma_wait3A_120] : memref<32768xf32, #tpu.memory_space<vmem>> -> memref<4096xf32, #tpu.memory_space<vmem>>
    tpu.wait_dma2 semaphore(%arg13 : memref<!tpu.dma_semaphore, #tpu.memory_space<semaphore_mem>>) src(%dma_wait3A_121 : memref<4096xf32, #tpu.memory_space<vmem>>) dst(%dma_wait3A_119 : memref<4096xf32, #tpu.memory_space<hbm>>)
    %dma_wait3A_122 = arith.constant 1 : i32
    %dma_wait3A_123 = arith.constant 4096 : i32
    %dma_wait3A_124 = tpu.memref_slice %arg7[%dma_wait3A_123] : memref<32768xf32, #tpu.memory_space<vmem>> -> memref<4096xf32, #tpu.memory_space<vmem>>
    %dma_wait3A_125 = arith.constant 0 : i32
    %dma_wait3A_126 = tpu.memref_slice %arg5[%add3A_10, %dma_wait3A_122, %dma_wait3A_125] : memref<128x2x4096xf32, #tpu.memory_space<hbm>> -> memref<1x1x4096xf32, #tpu.memory_space<hbm>>
    %dma_wait3A_127 = tpu.memref_squeeze %dma_wait3A_126 : memref<1x1x4096xf32, #tpu.memory_space<hbm>> -> memref<4096xf32, #tpu.memory_space<hbm>>
    %dma_wait3A_128 = arith.constant 0 : i32
    %dma_wait3A_129 = tpu.memref_slice %arg5[%add3A_10, %dma_wait3A_122, %dma_wait3A_128] : memref<128x2x4096xf32, #tpu.memory_space<hbm>> -> memref<1x1x4096xf32, #tpu.memory_space<hbm>>
    %dma_wait3A_130 = tpu.memref_squeeze %dma_wait3A_129 : memref<1x1x4096xf32, #tpu.memory_space<hbm>> -> memref<4096xf32, #tpu.memory_space<hbm>>
    %dma_wait3A_131 = arith.constant 4096 : i32
    %dma_wait3A_132 = tpu.memref_slice %arg7[%dma_wait3A_131] : memref<32768xf32, #tpu.memory_space<vmem>> -> memref<4096xf32, #tpu.memory_space<vmem>>
    tpu.wait_dma2 semaphore(%arg13 : memref<!tpu.dma_semaphore, #tpu.memory_space<semaphore_mem>>) src(%dma_wait3A_132 : memref<4096xf32, #tpu.memory_space<vmem>>) dst(%dma_wait3A_130 : memref<4096xf32, #tpu.memory_space<hbm>>)
    %dma_wait3A_133 = arith.constant 0 : i32
    %dma_wait3A_134 = arith.constant 8192 : i32
    %dma_wait3A_135 = tpu.memref_slice %arg7[%dma_wait3A_134] : memref<32768xf32, #tpu.memory_space<vmem>> -> memref<4096xf32, #tpu.memory_space<vmem>>
    %dma_wait3A_136 = arith.constant 0 : i32
    %dma_wait3A_137 = tpu.memref_slice %arg5[%add3A_36, %dma_wait3A_133, %dma_wait3A_136] : memref<128x2x4096xf32, #tpu.memory_space<hbm>> -> memref<1x1x4096xf32, #tpu.memory_space<hbm>>
    %dma_wait3A_138 = tpu.memref_squeeze %dma_wait3A_137 : memref<1x1x4096xf32, #tpu.memory_space<hbm>> -> memref<4096xf32, #tpu.memory_space<hbm>>
    %dma_wait3A_139 = arith.constant 0 : i32
    %dma_wait3A_140 = tpu.memref_slice %arg5[%add3A_36, %dma_wait3A_133, %dma_wait3A_139] : memref<128x2x4096xf32, #tpu.memory_space<hbm>> -> memref<1x1x4096xf32, #tpu.memory_space<hbm>>
    %dma_wait3A_141 = tpu.memref_squeeze %dma_wait3A_140 : memref<1x1x4096xf32, #tpu.memory_space<hbm>> -> memref<4096xf32, #tpu.memory_space<hbm>>
    %dma_wait3A_142 = arith.constant 8192 : i32
    %dma_wait3A_143 = tpu.memref_slice %arg7[%dma_wait3A_142] : memref<32768xf32, #tpu.memory_space<vmem>> -> memref<4096xf32, #tpu.memory_space<vmem>>
    tpu.wait_dma2 semaphore(%arg13 : memref<!tpu.dma_semaphore, #tpu.memory_space<semaphore_mem>>) src(%dma_wait3A_143 : memref<4096xf32, #tpu.memory_space<vmem>>) dst(%dma_wait3A_141 : memref<4096xf32, #tpu.memory_space<hbm>>)
    %dma_wait3A_144 = arith.constant 1 : i32
    %dma_wait3A_145 = arith.constant 12288 : i32
    %dma_wait3A_146 = tpu.memref_slice %arg7[%dma_wait3A_145] : memref<32768xf32, #tpu.memory_space<vmem>> -> memref<4096xf32, #tpu.memory_space<vmem>>
    %dma_wait3A_147 = arith.constant 0 : i32
    %dma_wait3A_148 = tpu.memref_slice %arg5[%add3A_36, %dma_wait3A_144, %dma_wait3A_147] : memref<128x2x4096xf32, #tpu.memory_space<hbm>> -> memref<1x1x4096xf32, #tpu.memory_space<hbm>>
    %dma_wait3A_149 = tpu.memref_squeeze %dma_wait3A_148 : memref<1x1x4096xf32, #tpu.memory_space<hbm>> -> memref<4096xf32, #tpu.memory_space<hbm>>
    %dma_wait3A_150 = arith.constant 0 : i32
    %dma_wait3A_151 = tpu.memref_slice %arg5[%add3A_36, %dma_wait3A_144, %dma_wait3A_150] : memref<128x2x4096xf32, #tpu.memory_space<hbm>> -> memref<1x1x4096xf32, #tpu.memory_space<hbm>>
    %dma_wait3A_152 = tpu.memref_squeeze %dma_wait3A_151 : memref<1x1x4096xf32, #tpu.memory_space<hbm>> -> memref<4096xf32, #tpu.memory_space<hbm>>
    %dma_wait3A_153 = arith.constant 12288 : i32
    %dma_wait3A_154 = tpu.memref_slice %arg7[%dma_wait3A_153] : memref<32768xf32, #tpu.memory_space<vmem>> -> memref<4096xf32, #tpu.memory_space<vmem>>
    tpu.wait_dma2 semaphore(%arg13 : memref<!tpu.dma_semaphore, #tpu.memory_space<semaphore_mem>>) src(%dma_wait3A_154 : memref<4096xf32, #tpu.memory_space<vmem>>) dst(%dma_wait3A_152 : memref<4096xf32, #tpu.memory_space<hbm>>)
    %dma_wait3A_155 = arith.constant 0 : i32
    %dma_wait3A_156 = arith.constant 16384 : i32
    %dma_wait3A_157 = tpu.memref_slice %arg7[%dma_wait3A_156] : memref<32768xf32, #tpu.memory_space<vmem>> -> memref<4096xf32, #tpu.memory_space<vmem>>
    %dma_wait3A_158 = arith.constant 0 : i32
    %dma_wait3A_159 = tpu.memref_slice %arg5[%add3A_62, %dma_wait3A_155, %dma_wait3A_158] : memref<128x2x4096xf32, #tpu.memory_space<hbm>> -> memref<1x1x4096xf32, #tpu.memory_space<hbm>>
    %dma_wait3A_160 = tpu.memref_squeeze %dma_wait3A_159 : memref<1x1x4096xf32, #tpu.memory_space<hbm>> -> memref<4096xf32, #tpu.memory_space<hbm>>
    %dma_wait3A_161 = arith.constant 0 : i32
    %dma_wait3A_162 = tpu.memref_slice %arg5[%add3A_62, %dma_wait3A_155, %dma_wait3A_161] : memref<128x2x4096xf32, #tpu.memory_space<hbm>> -> memref<1x1x4096xf32, #tpu.memory_space<hbm>>
    %dma_wait3A_163 = tpu.memref_squeeze %dma_wait3A_162 : memref<1x1x4096xf32, #tpu.memory_space<hbm>> -> memref<4096xf32, #tpu.memory_space<hbm>>
    %dma_wait3A_164 = arith.constant 16384 : i32
    %dma_wait3A_165 = tpu.memref_slice %arg7[%dma_wait3A_164] : memref<32768xf32, #tpu.memory_space<vmem>> -> memref<4096xf32, #tpu.memory_space<vmem>>
    tpu.wait_dma2 semaphore(%arg13 : memref<!tpu.dma_semaphore, #tpu.memory_space<semaphore_mem>>) src(%dma_wait3A_165 : memref<4096xf32, #tpu.memory_space<vmem>>) dst(%dma_wait3A_163 : memref<4096xf32, #tpu.memory_space<hbm>>)
    %dma_wait3A_166 = arith.constant 1 : i32
    %dma_wait3A_167 = arith.constant 20480 : i32
    %dma_wait3A_168 = tpu.memref_slice %arg7[%dma_wait3A_167] : memref<32768xf32, #tpu.memory_space<vmem>> -> memref<4096xf32, #tpu.memory_space<vmem>>
    %dma_wait3A_169 = arith.constant 0 : i32
    %dma_wait3A_170 = tpu.memref_slice %arg5[%add3A_62, %dma_wait3A_166, %dma_wait3A_169] : memref<128x2x4096xf32, #tpu.memory_space<hbm>> -> memref<1x1x4096xf32, #tpu.memory_space<hbm>>
    %dma_wait3A_171 = tpu.memref_squeeze %dma_wait3A_170 : memref<1x1x4096xf32, #tpu.memory_space<hbm>> -> memref<4096xf32, #tpu.memory_space<hbm>>
    %dma_wait3A_172 = arith.constant 0 : i32
    %dma_wait3A_173 = tpu.memref_slice %arg5[%add3A_62, %dma_wait3A_166, %dma_wait3A_172] : memref<128x2x4096xf32, #tpu.memory_space<hbm>> -> memref<1x1x4096xf32, #tpu.memory_space<hbm>>
    %dma_wait3A_174 = tpu.memref_squeeze %dma_wait3A_173 : memref<1x1x4096xf32, #tpu.memory_space<hbm>> -> memref<4096xf32, #tpu.memory_space<hbm>>
    %dma_wait3A_175 = arith.constant 20480 : i32
    %dma_wait3A_176 = tpu.memref_slice %arg7[%dma_wait3A_175] : memref<32768xf32, #tpu.memory_space<vmem>> -> memref<4096xf32, #tpu.memory_space<vmem>>
    tpu.wait_dma2 semaphore(%arg13 : memref<!tpu.dma_semaphore, #tpu.memory_space<semaphore_mem>>) src(%dma_wait3A_176 : memref<4096xf32, #tpu.memory_space<vmem>>) dst(%dma_wait3A_174 : memref<4096xf32, #tpu.memory_space<hbm>>)
    %dma_wait3A_177 = arith.constant 0 : i32
    %dma_wait3A_178 = arith.constant 24576 : i32
    %dma_wait3A_179 = tpu.memref_slice %arg7[%dma_wait3A_178] : memref<32768xf32, #tpu.memory_space<vmem>> -> memref<4096xf32, #tpu.memory_space<vmem>>
    %dma_wait3A_180 = arith.constant 0 : i32
    %dma_wait3A_181 = tpu.memref_slice %arg5[%add3A_88, %dma_wait3A_177, %dma_wait3A_180] : memref<128x2x4096xf32, #tpu.memory_space<hbm>> -> memref<1x1x4096xf32, #tpu.memory_space<hbm>>
    %dma_wait3A_182 = tpu.memref_squeeze %dma_wait3A_181 : memref<1x1x4096xf32, #tpu.memory_space<hbm>> -> memref<4096xf32, #tpu.memory_space<hbm>>
    %dma_wait3A_183 = arith.constant 0 : i32
    %dma_wait3A_184 = tpu.memref_slice %arg5[%add3A_88, %dma_wait3A_177, %dma_wait3A_183] : memref<128x2x4096xf32, #tpu.memory_space<hbm>> -> memref<1x1x4096xf32, #tpu.memory_space<hbm>>
    %dma_wait3A_185 = tpu.memref_squeeze %dma_wait3A_184 : memref<1x1x4096xf32, #tpu.memory_space<hbm>> -> memref<4096xf32, #tpu.memory_space<hbm>>
    %dma_wait3A_186 = arith.constant 24576 : i32
    %dma_wait3A_187 = tpu.memref_slice %arg7[%dma_wait3A_186] : memref<32768xf32, #tpu.memory_space<vmem>> -> memref<4096xf32, #tpu.memory_space<vmem>>
    tpu.wait_dma2 semaphore(%arg13 : memref<!tpu.dma_semaphore, #tpu.memory_space<semaphore_mem>>) src(%dma_wait3A_187 : memref<4096xf32, #tpu.memory_space<vmem>>) dst(%dma_wait3A_185 : memref<4096xf32, #tpu.memory_space<hbm>>)
    %dma_wait3A_188 = arith.constant 1 : i32
    %dma_wait3A_189 = arith.constant 28672 : i32
    %dma_wait3A_190 = tpu.memref_slice %arg7[%dma_wait3A_189] : memref<32768xf32, #tpu.memory_space<vmem>> -> memref<4096xf32, #tpu.memory_space<vmem>>
    %dma_wait3A_191 = arith.constant 0 : i32
    %dma_wait3A_192 = tpu.memref_slice %arg5[%add3A_88, %dma_wait3A_188, %dma_wait3A_191] : memref<128x2x4096xf32, #tpu.memory_space<hbm>> -> memref<1x1x4096xf32, #tpu.memory_space<hbm>>
    %dma_wait3A_193 = tpu.memref_squeeze %dma_wait3A_192 : memref<1x1x4096xf32, #tpu.memory_space<hbm>> -> memref<4096xf32, #tpu.memory_space<hbm>>
    %dma_wait3A_194 = arith.constant 0 : i32
    %dma_wait3A_195 = tpu.memref_slice %arg5[%add3A_88, %dma_wait3A_188, %dma_wait3A_194] : memref<128x2x4096xf32, #tpu.memory_space<hbm>> -> memref<1x1x4096xf32, #tpu.memory_space<hbm>>
    %dma_wait3A_196 = tpu.memref_squeeze %dma_wait3A_195 : memref<1x1x4096xf32, #tpu.memory_space<hbm>> -> memref<4096xf32, #tpu.memory_space<hbm>>
    %dma_wait3A_197 = arith.constant 28672 : i32
    %dma_wait3A_198 = tpu.memref_slice %arg7[%dma_wait3A_197] : memref<32768xf32, #tpu.memory_space<vmem>> -> memref<4096xf32, #tpu.memory_space<vmem>>
    tpu.wait_dma2 semaphore(%arg13 : memref<!tpu.dma_semaphore, #tpu.memory_space<semaphore_mem>>) src(%dma_wait3A_198 : memref<4096xf32, #tpu.memory_space<vmem>>) dst(%dma_wait3A_196 : memref<4096xf32, #tpu.memory_space<hbm>>)
    return
  }
}

</mosaic_0001>

<sc_bundles>
// kernel: kernel.3.cloned.1.call-start
scs
__scs_entry_jumppad:
0x0: {  	(pc) =	sbr.rel $0x88, $3  }
0x1: {  	(tag) =	ssettag $0x0;
	lr =	simm.s32 $0x1  }
0x2: {  	[smem:$0x3FA0] =	sst lr;
	_ =	strace $0xD0000000  }
0x3: {  	_ = 	snop  }
0x4: {  	_ = 	snop  }
0x5: {  	_ = 	snop  }
0x6: {  	_ = 	snop  }
0x7: {  	_ = 	snop  }
__scs_overlays_trampoline_lowered:
0x8: {  	[smem:$0x3FAF] =	sst s0  }
0x9: {  	[smem:$0x3FB0] =	sst s1  }
0xa: {  	[smem:$0x3FB1] =	sst s2  }
0xb: {  	[smem:$0x3FB2] =	sst s3  }
0xc: {  	[smem:$0x3FB3] =	sst s4  }
0xd: {  	[smem:$0x3FB4] =	sst s5  }
0xe: {  	[smem:$0x3FB5] =	sst s6  }
0xf: {  	[smem:$0x3FB6] =	sst s7  }
0x10: {  	[smem:$0x3FB7] =	sst s8  }
0x11: {  	[smem:$0x3FB8] =	sst s9;
	s0 =	simm.s32 @!p0 $0x0  }
0x12: {  	s1 =	sld [smem:$0x3F9E];
	s0 =	simm.s32 @p0 $0x1  }
0x13: {  	[smem:$0x3FB9] =	sst s0;
	s0 =	simm.s32 @!p1 $0x0  }
0x14: {  	s2 =	sld [smem:$0x3F9D];
	s0 =	simm.s32 @p1 $0x1  }
0x15: {  	[smem:$0x3FBA] =	sst s0;
	s0 =	simm.s32 @!p2 $0x0  }
0x16: {  	s3 =	sld [smem:$0x3FDB];
	s0 =	simm.s32 @p2 $0x1  }
0x17: {  	s4 =	simm.s32 $0x1BF5;
	[smem:$0x3FBC] =	sst s0  }
0x18: {  	s0 =	sld [smem:$0x3F9F];
	_ =	swait.ge [sflag:s4], $0x0  }
0x19: {  	s7 =	sld [smem:$0x3FA0]  }
0x1a: {  	s8 =	sadd.s32 $0xFFFFE003, lr  }
0x1b: {  	s9 =	sadd.s32 $0xFFFFFEF7, lr;
	s5 =	simm.s32 $0xFFFFFFFF;
	p2 =	slt.u32 s8, $0xFFFFF086  }
0x1c: {  	p1 =	slt.u32 s9, $0xF7A;
	s5 =	simm.s32 @!p2 $0x0  }
0x1d: {  	s5 =	simm.s32 @p1 $0x1;
	p0 =	seq.s32 s7, s2  }
0x1e: {  	s7 =	smul.u32 @!p0 $0xF7A, s2;
	p2 =	seq.s32 @!p0 s5, $0x0  }
0x1f: {  	s9 =	smul.u32 $0xF7A, s1;
	s8 =	simm.s32 @!p0 $0x1BF5;
	p2 =	por !p2, p0  }
0x20: {  	[sflag:s8] =	ssyncset.s32 @!p0 $0xFFFFF086;
	s6 =	sadd.s32 @!p0 s3, s7;
	s7 =	simm.s32 @!p0 $0x108  }
0x21: {  	s3 =	sadd.s32 s3, s9;
	s6 =	sadd.s32 @!p0 $0x88, s6;
	s7 =	simm.s32 @p2 $0x1082  }
0x22: {  	[simem:s7], [sflag:s8] =	dma.local @!p0 [hbm:s6], $0xF7A  }
0x23: {  	s9 =	sor.u32 $0xD0000000, s2;
	s6 =	simm.s32 $0x108;
	_ =	swait.ge @!p0 [sflag:s8], $0x0  }
0x24: {  	s3 =	sadd.s32 $0x88, s3;
	s6 =	simm.s32 @!p1 $0x1082;
	[sflag:s4] =	ssyncset.s32 $0xFFFFF086  }
0x25: {  	[simem:s6], [sflag:s4] =	dma.local [hbm:s3], $0xF7A  }
0x26: {  	[smem:$0x3FA0] =	sst s1;
	(tag) =	ssettag s2;
	_ =	strace s9  }
0x27: {  	s1 =	sld [smem:$0x3FB0]  }
0x28: {  	s2 =	sld [smem:$0x3FB1]  }
0x29: {  	s4 =	sld [smem:$0x3FB3]  }
0x2a: {  	p0 =	seq.s32 s5, $0x0;
	s5 =	sld [smem:$0x3FB4]  }
0x2b: {  	s6 =	sld [smem:$0x3FB5]  }
0x2c: {  	s7 =	sld [smem:$0x3FB6]  }
0x2d: {  	s3 =	simm.s32 $0x108;
	s8 =	sld [smem:$0x3FB7]  }
0x2e: {  	s3 =	simm.s32 @!p0 $0x1082;
	s9 =	sld [smem:$0x3FB8]  }
0x2f: {  	lr =	sadd.s32 s0, s3;
	s0 =	sld [smem:$0x3FAF]  }
0x30: {  	s3 =	sld [smem:$0x3FB2]  }
0x31: {  	[smem:$0x3FBB] =	sst s10  }
0x32: {  	s10 =	sld [smem:$0x3FB9];
	_ =	sdelay $0x3  }
0x33: {  	p0 =	seq.s32 s10, $0x1;
	s10 =	sld [smem:$0x3FBB];
	_ =	sdelay $0x3  }
0x34: {  	[smem:$0x3FBB] =	sst s10  }
0x35: {  	s10 =	sld [smem:$0x3FBA];
	_ =	sdelay $0x3  }
0x36: {  	p1 =	seq.s32 s10, $0x1;
	s10 =	sld [smem:$0x3FBB];
	_ =	sdelay $0x3  }
0x37: {  	[smem:$0x3FBB] =	sst s10  }
0x38: {  	s10 =	sld [smem:$0x3FBC]  }
0x39: {  	_ = 	snop;
	(pc) =	sbr.ind lr, $3  }
0x3a: {  	_ = 	snop  }
0x3b: {  	_ = 	snop  }
0x3c: {  	p2 =	seq.s32 s10, $0x1;
	s10 =	sld [smem:$0x3FBB]  }
0x3d: {  	_ =	shalt  }
0x3e: {  	_ =	shalt  }
0x3f: {  	_ =	shalt  }
0x40: {  	_ =	shalt  }
0x41: {  	_ =	shalt  }
0x42: {  	_ =	shalt  }
0x43: {  	_ =	shalt  }
0x44: {  	_ =	shalt  }
0x45: {  	_ =	shalt  }
0x46: {  	_ =	shalt  }
0x47: {  	_ =	shalt  }
0x48: {  	_ =	shalt  }
0x49: {  	_ =	shalt  }
0x4a: {  	_ =	shalt  }
0x4b: {  	_ =	shalt  }
0x4c: {  	_ =	shalt  }
0x4d: {  	_ =	shalt  }
0x4e: {  	_ =	shalt  }
0x4f: {  	_ =	shalt  }
0x50: {  	_ =	shalt  }
0x51: {  	_ =	shalt  }
0x52: {  	_ =	shalt  }
0x53: {  	_ =	shalt  }
0x54: {  	_ =	shalt  }
0x55: {  	_ =	shalt  }
0x56: {  	_ =	shalt  }
0x57: {  	_ =	shalt  }
0x58: {  	_ =	shalt  }
0x59: {  	_ =	shalt  }
0x5a: {  	_ =	shalt  }
0x5b: {  	_ =	shalt  }
0x5c: {  	_ =	shalt  }
0x5d: {  	_ =	shalt  }
0x5e: {  	_ =	shalt  }
0x5f: {  	_ =	shalt  }
0x60: {  	_ =	shalt  }
0x61: {  	_ =	shalt  }
0x62: {  	_ =	shalt  }
0x63: {  	_ =	shalt  }
0x64: {  	_ =	shalt  }
0x65: {  	_ =	shalt  }
0x66: {  	_ =	shalt  }
0x67: {  	_ =	shalt  }
0x68: {  	_ =	shalt  }
0x69: {  	_ =	shalt  }
0x6a: {  	_ =	shalt  }
0x6b: {  	_ =	shalt  }
0x6c: {  	_ =	shalt  }
0x6d: {  	_ =	shalt  }
0x6e: {  	_ =	shalt  }
0x6f: {  	_ =	shalt  }
0x70: {  	_ =	shalt  }
0x71: {  	_ =	shalt  }
0x72: {  	_ =	shalt  }
0x73: {  	_ =	shalt  }
0x74: {  	_ =	shalt  }
0x75: {  	_ =	shalt  }
0x76: {  	_ =	shalt  }
0x77: {  	_ =	shalt  }
0x78: {  	_ =	shalt  }
0x79: {  	_ =	shalt  }
0x7a: {  	_ =	shalt  }
0x7b: {  	_ =	shalt  }
0x7c: {  	_ =	shalt  }
0x7d: {  	_ =	shalt  }
0x7e: {  	_ =	shalt  }
0x7f: {  	_ =	shalt  }
0x80: {  	_ =	shalt  }
0x81: {  	_ =	shalt  }
0x82: {  	_ =	shalt  }
0x83: {  	_ =	shalt  }
0x84: {  	_ =	shalt  }
0x85: {  	_ =	shalt  }
0x86: {  	_ =	shalt  }
0x87: {  	_ =	shalt  }
.Lfunc_end0:
.L_simem_size_0:
called_computation_lowered:
.L_overlay_start_0:
0x88: {  	s2 =	sld [smem:$0x3FD9]  }
0x89: {  	s3 =	sld [smem:$0x3FFE];
	_ =	sdelay $0x1  }
0x8a: {  	s1 =	srdreg.scid  }
0x8b: {  	s0 =	sand.u32 $0x1, s1  }
0x8c: {  	s17 =	sshll.u32 s0, $0xA;
	s2 =	sadd.s32 s3, s2  }
0x8d: {  	s2 =	sadd.s32 s2, s17  }
0x8e: {  	[smem:$0x3FC7] =	sst s2  }
0x8f: {  	_ = 	snop  }
0x90: {  	s2 =	sld [smem:$0x3FC9]  }
0x91: {  	s18 =	sld [smem:$0x3FD0];
	(tm) =	ssettm $0x1  }
0x92: {  	s4 =	sld [smem:$0x3FFB];
	_ =	sdelay $0x3  }
0x93: {  	_ =	strace s4  }
0x94: {  	s4 =	sld [smem:$0x3FFC];
	_ =	sdelay $0x3  }
0x95: {  	_ =	strace s4  }
0x96: {  	s4 =	sld [smem:$0x3FFD];
	_ =	sdelay $0x3  }
0x97: {  	_ =	strace s4  }
0x98: {  	_ =	strace $0x8FFFFFFF  }
0x99: {  	s19 =	sld [smem:$0x3FDB];
	_ =	sdelay $0x1  }
0x9a: {  	s5 =	simm.s32 $_scs_section_size  }
0x9b: {  	s6 =	simm.s32 $_size__tile_overlayer_lowered;
	s7 =	simm.s32 $_tile_overlayer_lowered  }
0x9c: {  	s22 =	simm.s32 $0x1BFF;
	s21 =	sshll.u32 s7, $0x1;
	s4 =	sadd.s32 s5, s19  }
0x9d: {  	s8 =	simm.s32 $0x0;
	s20 =	sshll.u32 s6, $0x1;
	s6 =	sadd.s32 s21, s4  }
0x9e: {  	[timem:s8], [sflag:s22] =	dma.local [hbm:s6], s20  }
0x9f: {  	_ =	swait.ge [sflag:s22], s20  }
0xa0: {  	s5 =	ssub.s32 $0x0, s20;
	[sflag:s22] =	ssyncset.done $0x0  }
0xa1: {  	[sflag:s22] =	ssyncadd.s32 s5;
	_ =	sdelay $0x1  }
0xa2: {  	s23 =	simm.s32 $0x1B8B  }
0xa3: {  	_ =	swait.ge [sflag:s23], $0x1  }
0xa4: {  	[sflag:s23] =	ssyncset.done $0x0  }
0xa5: {  	s25 =	simm.s32 $0x1B8E;
	s24 =	sld [smem:$0x3FFE];
	[sflag:s23] =	ssyncadd.s32 $0xFFFFFFFF  }
0xa6: {  	s26 =	simm.s32 $execute0_lowered;
	[smem:$0x3FD2] =	sst s25  }
0xa7: {  	s6 =	sshll.u32 s26, $0x1;
	_ =	strace $0x80000046;
	[dreg:$0x1] =	wrdreg $0xFFFFFFFF  }
0xa8: {  	s28 =	simm.s32 $_size_execute0_lowered;
	s4 =	sadd.s32 s4, s6;
	[dreg:$0x0] =	wrdreg $0x0  }
0xa9: {  	s6 =	sshll.u32 s28, $0x1;
	[dreg:$0x2] =	wrdreg s4  }
0xaa: {  	[dreg:$0x3] =	wrdreg s6  }
0xab: {  	[dreg:$0x4] =	wrdreg $0xC0  }
0xac: {  	_ =	task [dreg:s8], $0x5FFFF  }
0xad: {  	[dreg:$0x1] =	wrdreg $0xFFFFFFFF  }
0xae: {  	[dreg:$0x0] =	wrdreg $0x60  }
0xaf: {  	[dreg:$0x2] =	wrdreg s2  }
0xb0: {  	[dreg:$0x3] =	wrdreg s24  }
0xb1: {  	[dreg:$0x4] =	wrdreg s18  }
0xb2: {  	[dreg:$0x5] =	wrdreg $0x9  }
0xb3: {  	_ =	task.clear_ibuf [dreg:s8], $0x6FFFF;
	_ =	strace $0x90000046  }
0xb4: {  	s29 =	simm.s32 $0x9;
	_ =	strace $0x80000048  }
0xb5: {  	_ =	swait.ge [sflag:s29], $0x1  }
0xb6: {  	[sflag:s29] =	ssyncadd.s32 $0xFFFFFFFF  }
0xb7: {  	_ =	strace $0x90000048  }
0xb8: {  	_ =	sfence  }
0xb9: {  	s30 =	sld [smem:$0x0];
	_ =	sdelay $0x2  }
0xba: {  	s31 =	sshll.u32 s1, $0xD;
	s1 =	sshrl.u32 s1, $0x2  }
0xbb: {  	s3 =	sand.u32 $0x4000, s31;
	s1 =	sadd.s32 s1, s30  }
0xbc: {  	s0 =	sor.u32 s3, s0;
	s1 =	sshll.u32 s1, $0x11  }
0xbd: {  	s0 =	sor.u32 s1, s0  }
0xbe: {  	s0 =	sadd.s32 $0x8F2B, s0  }
0xbf: {  	[sflag:s0] =	ssyncadd.remote.s32 $0x1  }
0xc0: {  	_ =	sfence.sel $0xFFFF  }
0xc1: {  	[dreg:$0x0] =	wrdreg $0xFFFFFFFF;
	(pc) =	sbr.abs _section_cstart, $3  }
0xc2: {  	[dreg:$0x1] =	wrdreg $0xFFFFFFFF  }
0xc3: {  	_ =	task.clear_ibuf [dreg:s8], $0x2FFFF;
	_ =	strace $0x9FFFFFFF  }
0xc4: {  	(tm) =	ssettm $0x7FFFFFFF  }
0xc5: {  	_ =	shalt  }
tec
execute0_lowered:
.L_overlay_start_1:
0x0: {  	(tag) =	ssettag $0x1  }
0x1: {  	s0 =	rddreg [dreg:$0x0]  }
0x2: {  	s1 =	rddreg [dreg:$0x1]  }
0x3: {  	s5 =	rddreg [dreg:$0x2];
	s2 =	simm.s32 $0x0  }
0x4: {  	s3 =	srdreg.scid;
	s4 =	stileid.u32;
	s15 =	simm.s32 $0xC000  }
0x5: {  	s16 =	simm.s32 $0xC080;
	s17 =	simm.s32 $0x1;
	s18 =	simm.s32 $0x2  }
0x6: {  	s19 =	simm.s32 $0x3;
	s20 =	simm.s32 $0x80;
	s21 =	simm.s32 $0x100  }
0x7: {  	s28 =	simm.s32 $0x9000;
	s29 =	simm.s32 $0xA000;
	s30 =	simm.s32 $0xB000  }
0x8: {  	s31 =	simm.s32 $0x4;
	[smem:$0x7FF] =	sst s2;
	s6 =	sand.u32 $0x1, s3  }
0x9: {  	s4 =	sshll.u32 s4, $0x1;
	s3 =	sadd.s32 $0x600, s1;
	_ =	strace $0x80000047  }
0xa: {  	s7 =	sor.u32 s6, s4;
	s4 =	sadd.s32 $0x400, s1;
	s25 =	ssub.s32 $0x2, s6  }
0xb: {  	s26 =	sshll.u32 s7, $0xC;
	s8 =	sshrl.u32 s25, $0x1;
	s7 =	sshll.u32 s7, $0xB  }
0xc: {  	s5 =	sadd.s32 s5, s26;
	s1 =	ssub.s32 s25, s8;
	s6 =	sadd.s32 s0, s7  }
0xd: {  	s0 =	simm.s32 $0x0;
	s7 =	sadd.s32 $0x10, s5;
	s8 =	sadd.s32 $0x400, s5  }
0xe: {  	s9 =	sadd.s32 $0x410, s5;
	s10 =	sadd.s32 $0x800, s5;
	s11 =	sadd.s32 $0x810, s5  }
0xf: {  	v0 =	vimm.s32 $0x0;
	v1 =	vimm.f32 $4.157480080e+04;
	s12 =	sadd.s32 $0xC00, s5;
	s13 =	sadd.s32 $0xC10, s5;
	s14 =	smax.u32 s1, $0x1  }
.LBB2_1:
0x10: {  	[tilespmem:s15], [sflag:$0x1] =	stream.linear.gather [hbm4b:s3+s2], $0x80, $0x38;
	[tilespmem:$0xC100] =	vst v63  }
0x11: {  	_ = 	snop  }
0x12: {  	[tilespmem:s16], [sflag:$0x2] =	stream.linear.gather [hbm4b:s4+s2], $0x80, $0x38;
	[tilespmem:$0xC100] =	vst v63  }
0x13: {  	_ = 	snop  }
0x14: {  	[tilespmem:s2], [sflag:$0x3] =	stream.linear.gather [hbm4b:s6+s2], $0x4000, $0x38;
	[tilespmem:$0xC100] =	vst v63  }
0x15: {  	_ =	swait.ge [sflag:s17], $0x80  }
0x16: {  	[sflag:s17] =	ssyncset.done $0x0  }
0x17: {  	[sflag:s17] =	ssyncadd.s32 $0xFFFFFF80  }
0x18: {  	_ =	swait.ge [sflag:s18], $0x80  }
0x19: {  	[sflag:s18] =	ssyncset.done $0x0  }
0x1a: {  	[sflag:s18] =	ssyncadd.s32 $0xFFFFFF80  }
0x1b: {  	_ =	swait.ge [sflag:s19], $0x4000  }
0x1c: {  	[sflag:s19] =	ssyncset.done $0x0  }
0x1d: {  	s1 =	simm.s32 $0x40;
	[sflag:s19] =	ssyncadd.s32 $0xFFFFC000  }
0x1e: {  	v17 =	vld [tilespmem:s1+$0x30];
	_ =	sdelay $0x4  }
0x1f: {  	vm0 =	vge.f32 v17, $1.637795310e+05  }
0x20: {  	v12 =	vld [tilespmem:s1+$0xFFFFFFE0];
	v2 =	vsel vm0, $0x40, v0;
	v3 =	vsel vm0, $0x48B302C6, v1  }
0x21: {  	v14 =	vld [tilespmem:s1+$0x0];
	vm0 =	vge.f32 v17, v3;
	v3 =	vor.u32 $0x20, v2  }
0x22: {  	v16 =	vld [tilespmem:s1+$0xFFFFFFC0];
	v2 =	vsel vm0, v3, v2  }
0x23: {  	v11 =	vld [tilespmem:s1+$0x10];
	v3 =	vor.u32 $0x10, v2  }
0x24: {  	v13 =	vld [tilespmem:s1+$0xFFFFFFD0]  }
0x25: {  	v15 =	vld [tilespmem:s1+$0xFFFFFFF0]  }
0x26: {  	vm1 =	vge.f32 v12, $1.637795310e+05  }
0x27: {  	v10 =	vld [tilespmem:s1+$0x20];
	vm2 =	vge.f32 v14, $1.637795310e+05;
	vm3 =	vge.f32 v16, $1.637795310e+05;
	v7 =	vsel vm1, $0x40, v0  }
0x28: {  	v8 =	vsel vm1, $0x48B302C6, v1;
	vm1 =	vge.f32 v11, $1.637795310e+05;
	v19 =	vsel vm2, $0x40, v0;
	v6 =	vld.idx.msk [tilespmem:v3+s15+$0x0], $0xffff  }
0x29: {  	v20 =	vsel vm3, $0x40, v0;
	v21 =	vsel vm3, $0x48B302C6, v1;
	vm0 =	vge.f32 v13, $1.637795310e+05  }
0x2a: {  	v4 =	vsel vm0, $0x40, v0;
	v5 =	vsel vm0, $0x48B302C6, v1;
	vm0 =	vge.f32 v15, $1.637795310e+05  }
0x2b: {  	vm3 =	vge.f32 v16, v21;
	v21 =	vor.u32 $0x20, v20;
	v9 =	vsel vm0, $0x40, v0  }
0x2c: {  	v18 =	vsel vm0, $0x48B302C6, v1;
	vm5 =	vge.f32 v13, v5;
	v5 =	vor.u32 $0x20, v4  }
0x2d: {  	vm0 =	vge.f32 v10, $1.637795310e+05;
	v4 =	vsel vm5, v5, v4;
	vm4 =	vge.f32 v17, v6  }
0x2e: {  	v24 =	vsel vm0, $0x40, v0;
	v25 =	vsel vm0, $0x48B302C6, v1;
	v2 =	vsel vm4, v3, v2  }
0x2f: {  	vm0 =	vge.f32 v15, v18;
	v3 =	vsel vm3, v21, v20;
	v6 =	vor.u32 $0x8, v2  }
0x30: {  	vm4 =	vge.f32 v12, v8;
	v8 =	vor.u32 $0x20, v7;
	v5 =	vor.u32 $0x10, v3  }
0x31: {  	v18 =	vor.u32 $0x20, v9;
	v7 =	vsel vm4, v8, v7;
	v8 =	vor.u32 $0x10, v4  }
0x32: {  	v22 =	vsel vm1, $0x48B302C6, v1;
	v9 =	vsel vm0, v18, v9;
	v23 =	vor.u32 $0x10, v7  }
0x33: {  	vm0 =	vge.f32 v10, v25;
	v20 =	vsel vm2, $0x48B302C6, v1;
	v21 =	vsel vm1, $0x40, v0  }
0x34: {  	vm2 =	vge.f32 v11, v22;
	vm1 =	vge.f32 v14, v20;
	v20 =	vor.u32 $0x20, v19;
	v26 =	vld.idx.msk [tilespmem:v6+s15+$0x0], $0xffff  }
0x35: {  	v22 =	vor.u32 $0x20, v21;
	v19 =	vsel vm1, v20, v19;
	v20 =	vor.u32 $0x10, v9;
	v18 =	vld.idx.msk [tilespmem:v5+s15+$0x0], $0xffff  }
0x36: {  	v27 =	vor.u32 $0x20, v24;
	v21 =	vsel vm2, v22, v21;
	v22 =	vor.u32 $0x10, v19;
	v25 =	vld.idx.msk [tilespmem:v8+s15+$0x0], $0xffff  }
0x37: {  	v24 =	vsel vm0, v27, v24;
	v27 =	vor.u32 $0x10, v21;
	v28 =	vld.idx.msk [tilespmem:v23+s15+$0x0], $0xffff  }
0x38: {  	v29 =	vor.u32 $0x10, v24  }
0x39: {  	vm0 =	vge.f32 v17, v26  }
0x3a: {  	v2 =	vsel vm0, v6, v2;
	vm0 =	vge.f32 v16, v18;
	v6 =	vld.idx.msk [tilespmem:v20+s15+$0x0], $0xffff  }
0x3b: {  	v18 =	vadd.s32 $0x4, v2;
	v3 =	vsel vm0, v5, v3;
	vm0 =	vge.f32 v13, v25;
	v5 =	vld.idx.msk [tilespmem:v22+s15+$0x0], $0xffff  }
0x3c: {  	v25 =	vor.u32 $0x8, v3;
	v4 =	vsel vm0, v8, v4;
	vm0 =	vge.f32 v12, v28;
	v8 =	vld.idx.msk [tilespmem:v27+s15+$0x0], $0xffff  }
0x3d: {  	v26 =	vor.u32 $0x8, v4;
	v7 =	vsel vm0, v23, v7;
	v23 =	vld.idx.msk [tilespmem:v29+s15+$0x0], $0xffff  }
0x3e: {  	v28 =	vor.u32 $0x8, v7  }
0x3f: {  	vm0 =	vge.f32 v15, v6  }
0x40: {  	v6 =	vld.idx.msk [tilespmem:v18+s15+$0x0], $0xffff;
	v9 =	vsel vm0, v20, v9;
	vm0 =	vge.f32 v14, v5  }
0x41: {  	v5 =	vld.idx.msk [tilespmem:v25+s15+$0x0], $0xffff;
	v20 =	vor.u32 $0x8, v9;
	v19 =	vsel vm0, v22, v19;
	vm0 =	vge.f32 v11, v8  }
0x42: {  	v8 =	vld.idx.msk [tilespmem:v26+s15+$0x0], $0xffff;
	v22 =	vor.u32 $0x8, v19;
	v21 =	vsel vm0, v27, v21;
	vm0 =	vge.f32 v10, v23  }
0x43: {  	v23 =	vld.idx.msk [tilespmem:v28+s15+$0x0], $0xffff;
	v27 =	vor.u32 $0x8, v21;
	v24 =	vsel vm0, v29, v24  }
0x44: {  	v29 =	vor.u32 $0x8, v24  }
0x45: {  	vm0 =	vge.f32 v17, v6  }
0x46: {  	v2 =	vsel vm0, v18, v2;
	vm0 =	vge.f32 v16, v5;
	v5 =	vld.idx.msk [tilespmem:v20+s15+$0x0], $0xffff  }
0x47: {  	v6 =	vadd.s32 $0x2, v2;
	v3 =	vsel vm0, v25, v3;
	vm0 =	vge.f32 v13, v8;
	v8 =	vld.idx.msk [tilespmem:v22+s15+$0x0], $0xffff  }
0x48: {  	v18 =	vadd.s32 $0x4, v3;
	v4 =	vsel vm0, v26, v4;
	vm0 =	vge.f32 v12, v23;
	v23 =	vld.idx.msk [tilespmem:v27+s15+$0x0], $0xffff  }
0x49: {  	v26 =	vld.idx.msk [tilespmem:v29+s15+$0x0], $0xffff  }
0x4a: {  	v25 =	vadd.s32 $0x4, v4;
	v7 =	vsel vm0, v28, v7  }
0x4b: {  	v28 =	vadd.s32 $0x4, v7;
	vm0 =	vge.f32 v15, v5  }
0x4c: {  	v5 =	vld.idx.msk [tilespmem:v6+s15+$0x0], $0xffff;
	v9 =	vsel vm0, v20, v9;
	vm0 =	vge.f32 v14, v8  }
0x4d: {  	v8 =	vld.idx.msk [tilespmem:v18+s15+$0x0], $0xffff;
	v20 =	vadd.s32 $0x4, v9;
	v19 =	vsel vm0, v22, v19;
	vm0 =	vge.f32 v11, v23  }
0x4e: {  	v23 =	vadd.s32 $0x4, v19;
	v21 =	vsel vm0, v27, v21;
	vm0 =	vge.f32 v10, v26  }
0x4f: {  	v22 =	vld.idx.msk [tilespmem:v25+s15+$0x0], $0xffff;
	v27 =	vadd.s32 $0x4, v21;
	v24 =	vsel vm0, v29, v24  }
0x50: {  	v26 =	vld.idx.msk [tilespmem:v28+s15+$0x0], $0xffff;
	v29 =	vadd.s32 $0x4, v24  }
0x51: {  	vm0 =	vge.f32 v17, v5  }
0x52: {  	v2 =	vsel vm0, v6, v2;
	vm0 =	vge.f32 v16, v8;
	v5 =	vld.idx.msk [tilespmem:v20+s15+$0x0], $0xffff  }
0x53: {  	v6 =	vadd.s32 $0x1, v2;
	v3 =	vsel vm0, v18, v3;
	v8 =	vld.idx.msk [tilespmem:v23+s15+$0x0], $0xffff  }
0x54: {  	vm0 =	vge.f32 v13, v22;
	v18 =	vadd.s32 $0x2, v3;
	v22 =	vld.idx.msk [tilespmem:v27+s15+$0x0], $0xffff  }
0x55: {  	vm6 =	vge.f32 v13, $0.0e+00;
	v4 =	vsel vm0, v25, v4;
	vm0 =	vge.f32 v12, v26;
	v26 =	vld.idx.msk [tilespmem:v29+s15+$0x0], $0xffff  }
0x56: {  	vm6 =	vmmov vm6;
	v25 =	vadd.s32 $0x2, v4;
	v7 =	vsel vm0, v28, v7  }
0x57: {  	vm5 =	vge.f32 v12, $0.0e+00;
	v28 =	vadd.s32 $0x2, v7;
	vm0 =	vge.f32 v15, v5  }
0x58: {  	vm3 =	vge.f32 v15, $0.0e+00;
	v5 =	vld.idx.msk [tilespmem:v6+s15+$0x0], $0xffff;
	v9 =	vsel vm0, v20, v9;
	vm0 =	vge.f32 v14, v8  }
0x59: {  	s25 =	simm.s32 $0xC0;
	v20 =	vld.idx.msk [tilespmem:v18+s15+$0x0], $0xffff;
	v30 =	vadd.s32 $0x2, v9;
	v19 =	vsel vm0, v23, v19;
	vm0 =	vge.f32 v11, v22  }
0x5a: {  	v8 =	vld [tilespmem:s25+$0x30];
	v31 =	vadd.s32 $0x2, v19;
	v21 =	vsel vm0, v27, v21;
	vm0 =	vge.f32 v10, v26  }
0x5b: {  	vm4 =	vge.f32 v16, $0.0e+00;
	v23 =	vld.idx.msk [tilespmem:v25+s15+$0x0], $0xffff;
	v27 =	vadd.s32 $0x2, v21;
	v24 =	vsel vm0, v29, v24  }
0x5c: {  	vm2 =	vge.f32 v14, $0.0e+00;
	vm1 =	vge.f32 v11, $0.0e+00;
	v26 =	vld.idx.msk [tilespmem:v28+s15+$0x0], $0xffff;
	v29 =	vadd.s32 $0x2, v24  }
0x5d: {  	vm9 =	vmmov vm4;
	vm2 =	vmmov vm2;
	vm0 =	vge.f32 v10, $0.0e+00  }
0x5e: {  	vm11 =	vmmov vm0;
	vm8 =	vge.f32 v17, v5;
	vm7 =	vge.f32 v16, v20;
	v20 =	vld.idx.msk [tilespmem:v30+s15+$0x0], $0xffff  }
0x5f: {  	v22 =	vsel vm8, v6, v2;
	vm8 =	vge.f32 v8, $1.637795310e+05;
	v18 =	vsel vm7, v18, v3;
	v5 =	vld.idx.msk [tilespmem:v31+s15+$0x0], $0xffff  }
0x60: {  	vm7 =	vge.f32 v13, v23;
	v32 =	vsel vm8, $0x40, v0;
	v3 =	vsel vm8, $0x48B302C6, v1;
	v6 =	vld.idx.msk [tilespmem:v27+s15+$0x0], $0xffff  }
0x61: {  	v23 =	vadd.s32 $0x1, v18;
	v25 =	vsel vm7, v25, v4;
	vm7 =	vge.f32 v12, v26;
	v4 =	vld.idx.msk [tilespmem:v29+s15+$0x0], $0xffff  }
0x62: {  	v28 =	vsel vm7, v28, v7;
	vm7 =	vge.f32 v8, v3;
	v7 =	vor.u32 $0x20, v32;
	v3 =	vld [tilespmem:s25+$0xFFFFFFE0]  }
0x63: {  	v2 =	vld [tilespmem:s25+$0xFFFFFFD0];
	v26 =	vadd.s32 $0x1, v25;
	v32 =	vsel vm7, v7, v32;
	vm8 =	vge.f32 v15, v20  }
0x64: {  	v7 =	vld [tilespmem:s25+$0x0];
	v20 =	vadd.s32 $0x1, v28;
	v33 =	vor.u32 $0x10, v32;
	vm7 =	vge.f32 v14, v5  }
0x65: {  	v30 =	vsel vm8, v30, v9;
	v19 =	vsel vm7, v31, v19;
	vm7 =	vge.f32 v11, v6  }
0x66: {  	v5 =	vld [tilespmem:s25+$0xFFFFFFF0];
	v34 =	vadd.s32 $0x1, v30;
	v31 =	vadd.s32 $0x1, v19;
	v27 =	vsel vm7, v27, v21  }
0x67: {  	v9 =	vld [tilespmem:s25+$0xFFFFFFC0];
	vm7 =	vge.f32 v10, v4;
	vm8 =	vge.f32 v3, $1.637795310e+05;
	v35 =	vadd.s32 $0x1, v27  }
0x68: {  	v6 =	vld [tilespmem:s25+$0x10];
	v24 =	vsel vm7, v29, v24;
	vm7 =	vge.f32 v2, $1.637795310e+05;
	v36 =	vsel vm8, $0x40, v0  }
0x69: {  	v4 =	vld [tilespmem:s25+$0x20];
	v37 =	vsel vm8, $0x48B302C6, v1;
	vm8 =	vge.f32 v7, $1.637795310e+05;
	v21 =	vsel vm7, $0x40, v0  }
0x6a: {  	v29 =	vsel vm7, $0x48B302C6, v1;
	v41 =	vsel vm8, $0x40, v0;
	v42 =	vsel vm8, $0x48B302C6, v1  }
0x6b: {  	v38 =	vld.idx.msk [tilespmem:v33+s15+$0x0], $0xffff;
	v60 =	vor.u32 $0x20, v36;
	vm7 =	vge.f32 v5, $1.637795310e+05;
	v62 =	vor.u32 $0x20, v41  }
0x6c: {  	v39 =	vsel vm7, $0x40, v0;
	v40 =	vsel vm7, $0x48B302C6, v1;
	vm7 =	vge.f32 v9, $1.637795310e+05  }
0x6d: {  	vm8 =	vge.f32 v6, $1.637795310e+05;
	v43 =	vsel vm7, $0x40, v0;
	v44 =	vsel vm7, $0x48B302C6, v1  }
0x6e: {  	vm7 =	vge.f32 v4, $1.637795310e+05;
	v45 =	vsel vm8, $0x40, v0;
	v46 =	vsel vm8, $0x48B302C6, v1  }
0x6f: {  	v47 =	vsel vm7, $0x40, v0;
	v48 =	vsel vm7, $0x48B302C6, v1;
	vm8 =	vge.f32 v9, v44  }
0x70: {  	v59 =	vor.u32 $0x20, v43;
	v56 =	vor.u32 $0x20, v45;
	vm7 =	vge.f32 v8, v38  }
0x71: {  	v32 =	vsel vm7, v33, v32;
	vm7 =	vge.f32 v2, v29;
	v29 =	vor.u32 $0x20, v21  }
0x72: {  	v38 =	vld.idx.msk [tilespmem:v22+s15+$0x0], $0xffff;
	v33 =	vsel vm8, v59, v43;
	vm8 =	vge.f32 v3, v37;
	v59 =	vor.u32 $0x20, v47  }
0x73: {  	v43 =	vld.idx.msk [tilespmem:v22+s16+$0x0], $0xffff;
	v22 =	vcvt.s32.f32 v22;
	v29 =	vsel vm7, v29, v21;
	vm7 =	vge.f32 v5, v40  }
0x74: {  	v52 =	vld.idx.msk [tilespmem:v35+s15+$0x0], $0xffff;
	v21 =	vor.u32 $0x20, v39;
	v36 =	vsel vm8, v60, v36;
	vm8 =	vge.f32 v7, v42  }
0x75: {  	v42 =	vadd.s32 $0x1, v24;
	v57 =	vor.u32 $0x8, v32;
	v58 =	vor.u32 $0x10, v33  }
0x76: {  	v61 =	vld.idx.msk [tilespmem:v23+s15+$0x0], $0xffff;
	v39 =	vsel vm7, v21, v39;
	vm7 =	vge.f32 v17, $0.0e+00;
	v40 =	vsel vm8, v62, v41  }
0x77: {  	v21 =	vld.idx.msk [tilespmem:v26+s15+$0x0], $0xffff;
	vm8 =	vge.f32 v6, v46;
	v51 =	vor.u32 $0x10, v29;
	v60 =	vor.u32 $0x10, v36  }
0x78: {  	v63 =	vld.idx.msk [tilespmem:v20+s15+$0x0], $0xffff;
	v44 =	vsel vm8, v56, v45;
	vm8 =	vge.f32 v4, v48;
	v53 =	vor.u32 $0x10, v39  }
0x79: {  	v49 =	vld.idx.msk [tilespmem:v34+s15+$0x0], $0xffff;
	v54 =	vor.u32 $0x10, v40;
	vm4 =	vge.f32 v11, v52;
	vm10 =	vmmov vm7  }
0x7a: {  	v50 =	vld.idx.msk [tilespmem:v31+s15+$0x0], $0xffff;
	vm7 =	vge.f32 v4, $0.0e+00;
	v47 =	vsel vm8, v59, v47;
	v17 =	vsub.f32 v17, v38  }
0x7b: {  	vm8 =	vge.f32 v16, v61;
	v22 =	vnsel vm10, $0xBF800000, v22;
	vm7 =	vmmov vm7  }
0x7c: {  	v23 =	vsel vm8, v23, v18;
	v61 =	vld.idx.msk [tilespmem:v42+s15+$0x0], $0xffff;
	v17 =	vmul.f32 v43, v17;
	vm8 =	vge.f32 v13, v21  }
0x7d: {  	v55 =	vld.idx.msk [tilespmem:v57+s15+$0x0], $0xffff;
	v25 =	vsel vm8, v26, v25;
	vm8 =	vge.f32 v12, v63;
	v26 =	vor.u32 $0x10, v44  }
0x7e: {  	v63 =	vor.u32 $0x10, v47;
	v28 =	vsel vm8, v20, v28;
	vm8 =	vge.f32 v15, v49  }
0x7f: {  	v62 =	vld.idx.msk [tilespmem:v58+s15+$0x0], $0xffff;
	v17 =	vmax.f32 v17, $0.0e+00;
	v21 =	vsel vm8, v34, v30;
	vm8 =	vge.f32 v14, v50  }
0x80: {  	v17 =	vmin.f32 v17, $1.000000000e+00;
	v59 =	vcvt.s32.f32 v25;
	v30 =	vld.idx.msk [tilespmem:v51+s15+$0x0], $0xffff;
	v20 =	vsel vm8, v31, v19  }
0x81: {  	v41 =	vld.idx.msk [tilespmem:v23+s15+$0x0], $0xffff;
	vm8 =	vmmov vm5;
	v19 =	vsel vm4, v35, v27;
	vm5 =	vge.f32 v10, v61  }
0x82: {  	v31 =	vld.idx.msk [tilespmem:v60+s15+$0x0], $0xffff;
	vm4 =	vmmov vm3;
	vm3 =	vge.f32 v8, v55;
	v61 =	vcvt.s32.f32 v21  }
0x83: {  	v27 =	vld.idx.msk [tilespmem:v53+s15+$0x0], $0xffff;
	v38 =	vnsel vm6, $0xBF800000, v59;
	v18 =	vsel vm5, v42, v24;
	v32 =	vsel vm3, v57, v32  }
0x84: {  	vm3 =	vge.f32 v9, v62;
	vm5 =	vmmov vm1;
	v57 =	vcvt.s32.f32 v23;
	v55 =	vld.idx.msk [tilespmem:v26+s15+$0x0], $0xffff  }
0x85: {  	v24 =	vld.idx.msk [tilespmem:v54+s15+$0x0], $0xffff;
	v62 =	vcvt.s32.f32 v20;
	v33 =	vsel vm3, v58, v33;
	vm3 =	vge.f32 v3, $0.0e+00  }
0x86: {  	v56 =	vld.idx.msk [tilespmem:v63+s15+$0x0], $0xffff;
	v34 =	vnsel vm9, $0xBF800000, v57;
	vm9 =	vge.f32 v7, $0.0e+00;
	vm1 =	vge.f32 v2, v30  }
0x87: {  	v23 =	vld.idx.msk [tilespmem:v23+s16+$0x0], $0xffff;
	v30 =	vadd.s32 $0x4, v32;
	v29 =	vsel vm1, v51, v29;
	vm1 =	vge.f32 v3, v31  }
0x88: {  	v46 =	vld.idx.msk [tilespmem:v28+s15+$0x0], $0xffff;
	v42 =	vnsel vm2, $0xBF800000, v62;
	v31 =	vsel vm1, v60, v36;
	vm1 =	vge.f32 v5, v27  }
0x89: {  	v59 =	vld.idx.msk [tilespmem:v21+s15+$0x0], $0xffff;
	v36 =	vor.u32 $0x8, v33;
	v60 =	vcvt.s32.f32 v28;
	vm0 =	vge.f32 v6, v55  }
0x8a: {  	v45 =	vor.u32 $0x8, v29;
	v27 =	vsel vm1, v53, v39;
	v26 =	vsel vm0, v26, v44;
	v44 =	vld.idx.msk [tilespmem:v25+s15+$0x0], $0xffff  }
0x8b: {  	vm0 =	vge.f32 v4, v56;
	v48 =	vor.u32 $0x8, v27;
	v39 =	vnsel vm8, $0xBF800000, v60;
	v60 =	vld.idx.msk [tilespmem:v20+s15+$0x0], $0xffff  }
0x8c: {  	vm1 =	vge.f32 v7, v24;
	v35 =	vsel vm0, v63, v47;
	v58 =	vld.idx.msk [tilespmem:v30+s15+$0x0], $0xffff;
	v47 =	vor.u32 $0x8, v31  }
0x8d: {  	vm3 =	vmmov vm3;
	v16 =	vsub.f32 v16, v41;
	v24 =	vsel vm1, v54, v40;
	v20 =	vld.idx.msk [tilespmem:v20+s16+$0x0], $0xffff  }
0x8e: {  	vm9 =	vmmov vm9;
	v63 =	vcvt.s32.f32 v19;
	v51 =	vor.u32 $0x8, v24;
	v57 =	vld.idx.msk [tilespmem:v36+s15+$0x0], $0xffff  }
0x8f: {  	v16 =	vmul.f32 v23, v16;
	v40 =	vnsel vm4, $0xBF800000, v61;
	v52 =	vor.u32 $0x8, v26;
	v61 =	vld.idx.msk [tilespmem:v45+s15+$0x0], $0xffff  }
0x90: {  	vm1 =	vge.f32 v9, $0.0e+00;
	v54 =	vor.u32 $0x8, v35;
	v43 =	vnsel vm5, $0xBF800000, v63;
	v63 =	vld.idx.msk [tilespmem:v48+s15+$0x0], $0xffff  }
0x91: {  	vm8 =	vge.f32 v5, $0.0e+00;
	vm6 =	vge.f32 v8, v58;
	v58 =	vcvt.s32.f32 v18;
	v62 =	vld.idx.msk [tilespmem:v47+s15+$0x0], $0xffff  }
0x92: {  	v13 =	vsub.f32 v13, v44;
	v44 =	vsub.f32 v15, v59;
	v59 =	vld.idx.msk [tilespmem:v19+s15+$0x0], $0xffff;
	v30 =	vsel vm6, v30, v32  }
0x93: {  	v37 =	vnsel vm11, $0xBF800000, v58;
	vm2 =	vge.f32 v9, v57;
	v57 =	vld.idx.msk [tilespmem:v51+s15+$0x0], $0xffff;
	v58 =	vadd.s32 $0x2, v30  }
0x94: {  	vm4 =	vge.f32 v6, $0.0e+00;
	v12 =	vsub.f32 v12, v46;
	v16 =	vmax.f32 v16, $0.0e+00;
	v15 =	vld.idx.msk [tilespmem:v52+s15+$0x0], $0xffff  }
0x95: {  	v32 =	vsub.f32 v14, v60;
	v14 =	vld.idx.msk [tilespmem:v54+s15+$0x0], $0xffff;
	v33 =	vsel vm2, v36, v33;
	vm2 =	vge.f32 v2, v61  }
0x96: {  	v19 =	vld.idx.msk [tilespmem:v19+s16+$0x0], $0xffff;
	v60 =	vadd.s32 $0x4, v33;
	v29 =	vsel vm2, v45, v29;
	vm2 =	vge.f32 v3, v62  }
0x97: {  	v61 =	vld.idx.msk [tilespmem:v18+s15+$0x0], $0xffff;
	v45 =	vadd.s32 $0x4, v29;
	v31 =	vsel vm2, v47, v31;
	vm2 =	vge.f32 v5, v63  }
0x98: {  	v47 =	vadd.s32 $0x4, v31;
	v27 =	vsel vm2, v48, v27;
	vm2 =	vge.f32 v7, v57;
	v62 =	vld.idx.msk [tilespmem:v58+s15+$0x0], $0xffff  }
0x99: {  	v48 =	vadd.s32 $0x4, v27;
	v51 =	vsel vm2, v51, v24;
	vm2 =	vge.f32 v6, v15;
	v15 =	vld.idx.msk [tilespmem:v25+s16+$0x0], $0xffff  }
0x9a: {  	v49 =	vsub.f32 v11, v59;
	v26 =	vsel vm2, v52, v26;
	vm2 =	vge.f32 v4, v14;
	v14 =	vld.idx.msk [tilespmem:v28+s16+$0x0], $0xffff  }
0x9b: {  	vm0 =	vge.f32 v2, $0.0e+00;
	vm4 =	vmmov vm4;
	v25 =	vadd.s32 $0x4, v51;
	v11 =	vld.idx.msk [tilespmem:v60+s15+$0x0], $0xffff  }
0x9c: {  	v19 =	vmul.f32 v19, v49;
	v28 =	vadd.s32 $0x4, v26;
	v35 =	vsel vm2, v54, v35;
	v24 =	vld.idx.msk [tilespmem:v45+s15+$0x0], $0xffff  }
0x9d: {  	s26 =	sand.u32 $0x6000, s2;
	s22 =	sand.u32 $0xF80, s2;
	vm5 =	vmmov vm1;
	vm1 =	vmmov vm8;
	v52 =	vadd.s32 $0x4, v35;
	v23 =	vld.idx.msk [tilespmem:v47+s15+$0x0], $0xffff  }
0x9e: {  	s1 =	sor.u32 s22, s26;
	v10 =	vsub.f32 v10, v61;
	v19 =	vmax.f32 v19, $0.0e+00;
	vm10 =	vge.f32 v8, v62;
	v63 =	vld.idx.msk [tilespmem:v48+s15+$0x0], $0xffff  }
0x9f: {  	[tilespmem:s1+$0x4070] =	vst v22;
	v61 =	vld.idx.msk [tilespmem:v21+s16+$0x0], $0xffff;
	v19 =	vmin.f32 v19, $1.000000000e+00;
	v57 =	vsel vm10, v58, v30;
	v13 =	vmul.f32 v15, v13  }
0xa0: {  	[tilespmem:s1+$0x5070] =	vst v17;
	v30 =	vld.idx.msk [tilespmem:v25+s15+$0x0], $0xffff;
	v46 =	vadd.s32 $0x1, v57;
	v12 =	vmul.f32 v14, v12;
	vm8 =	vge.f32 v9, v11  }
0xa1: {  	[tilespmem:s1+$0x4000] =	vst v34;
	v58 =	vmin.f32 v16, $1.000000000e+00;
	v17 =	vld.idx.msk [tilespmem:v28+s15+$0x0], $0xffff;
	v33 =	vsel vm8, v60, v33;
	vm8 =	vge.f32 v2, v24  }
0xa2: {  	[tilespmem:s1+$0x4040] =	vst v42;
	v22 =	vld.idx.msk [tilespmem:v52+s15+$0x0], $0xffff;
	v60 =	vmax.f32 v12, $0.0e+00;
	v11 =	vsel vm8, v45, v29;
	vm8 =	vge.f32 v3, v23  }
0xa3: {  	[tilespmem:s1+$0x4050] =	vst v43;
	v62 =	vadd.s32 $0x2, v33;
	v12 =	vsel vm8, v47, v31;
	vm8 =	vge.f32 v5, v63  }
0xa4: {  	[tilespmem:s1+$0x4010] =	vst v38;
	v59 =	vmax.f32 v13, $0.0e+00;
	v15 =	vadd.s32 $0x2, v11;
	v13 =	vsel vm8, v48, v27  }
0xa5: {  	[tilespmem:s1+$0x4030] =	vst v40;
	v16 =	vadd.s32 $0x2, v12;
	vm8 =	vge.f32 v7, v30;
	v23 =	vld.idx.msk [tilespmem:v46+s15+$0x0], $0xffff;
	v24 =	vadd.s32 $0x2, v13  }
0xa6: {  	v14 =	vsel vm8, v25, v51;
	vm8 =	vge.f32 v6, v17;
	v17 =	vld.idx.msk [tilespmem:v18+s16+$0x0], $0xffff;
	v18 =	vmul.f32 v61, v44  }
0xa7: {  	[tilespmem:s1+$0x4020] =	vst v39;
	v25 =	vadd.s32 $0x2, v14;
	v26 =	vsel vm8, v28, v26;
	vm8 =	vge.f32 v4, v22  }
0xa8: {  	[tilespmem:s1+$0x5050] =	vst v19;
	v31 =	vmin.f32 v60, $1.000000000e+00;
	v22 =	vld.idx.msk [tilespmem:v62+s15+$0x0], $0xffff;
	v29 =	vadd.s32 $0x2, v26;
	v21 =	vsel vm8, v52, v35  }
0xa9: {  	[tilespmem:s1+$0x5000] =	vst v58;
	v28 =	vmul.f32 v20, v32;
	v63 =	vld.idx.msk [tilespmem:v15+s15+$0x0], $0xffff;
	v18 =	vmax.f32 v18, $0.0e+00;
	v30 =	vadd.s32 $0x2, v21  }
0xaa: {  	vm6 =	vge.f32 v8, $0.0e+00;
	v27 =	vmin.f32 v59, $1.000000000e+00;
	[tilespmem:s1+$0x5020] =	vst v31;
	v18 =	vmin.f32 v18, $1.000000000e+00;
	v20 =	vld.idx.msk [tilespmem:v16+s15+$0x0], $0xffff  }
0xab: {  	[tilespmem:s1+$0x5010] =	vst v27;
	v32 =	vmax.f32 v28, $0.0e+00;
	vm8 =	vge.f32 v8, v23;
	v23 =	vld.idx.msk [tilespmem:v24+s15+$0x0], $0xffff;
	v17 =	vmul.f32 v17, v10  }
0xac: {  	vm2 =	vmmov vm0;
	[tilespmem:s1+$0x5030] =	vst v18;
	v18 =	vmin.f32 v32, $1.000000000e+00;
	v28 =	vsel vm8, v46, v57;
	v27 =	vld.idx.msk [tilespmem:v25+s15+$0x0], $0xffff  }
0xad: {  	s24 =	simm.s32 $0x8;
	[tilespmem:s1+$0x5040] =	vst v18;
	v10 =	vcvt.s32.f32 v28;
	vm8 =	vge.f32 v9, v22;
	v31 =	vld.idx.msk [tilespmem:v29+s15+$0x0], $0xffff;
	v18 =	vmax.f32 v17, $0.0e+00  }
0xae: {  	s23 =	simm.s32 $0x0;
	s22 =	simm.s32 $0x0;
	s25 =	simm.s32 $0x140;
	[tilespmem:s1+$0x4060] =	vst v37;
	v17 =	vsel vm8, v62, v33;
	vm8 =	vge.f32 v2, v63;
	v32 =	vld.idx.msk [tilespmem:v30+s15+$0x0], $0xffff;
	v22 =	vmin.f32 v18, $1.000000000e+00  }
.LBB2_2:
0xaf: {  	v19 =	vadd.s32 $0x1, v17  }
0xb0: {  	v33 =	vld [tilespmem:s25+$0x30];
	v18 =	vsel vm8, v15, v11;
	vm0 =	vmmov vm6;
	v11 =	vimm.s32 $0x0  }
0xb1: {  	v15 =	vld [tilespmem:s25+$0xFFFFFFD0];
	v11 =	vsel vm0, $0xFFFFFFFF, v11;
	vm6 =	vge.f32 v5, v23;
	vm8 =	vge.f32 v3, v20  }
0xb2: {  	v20 =	vadd.s32 $0x1, v18;
	v24 =	vsel vm6, v24, v13;
	vm6 =	vge.f32 v7, v27;
	v13 =	vld [tilespmem:s25+$0x0]  }
0xb3: {  	[tilespmem:s1+$0x5060] =	vst v22;
	v22 =	vsel vm8, v16, v12;
	v12 =	vld.idx.msk [tilespmem:v28+s15+$0x0], $0xffff;
	v27 =	vadd.s32 $0x1, v24;
	v25 =	vsel vm6, v25, v14  }
0xb4: {  	vm6 =	vge.f32 v6, v31;
	v31 =	vld.idx.msk [tilespmem:v28+s16+$0x0], $0xffff;
	v23 =	vadd.s32 $0x1, v22;
	v28 =	vadd.s32 $0x1, v25  }
0xb5: {  	v16 =	vld [tilespmem:s25+$0xFFFFFFE0];
	v26 =	vsel vm6, v29, v26;
	vm6 =	vge.f32 v4, v32;
	vm8 =	vge.f32 v33, $1.637795310e+05  }
0xb6: {  	v14 =	vld [tilespmem:s25+$0xFFFFFFF0];
	vm10 =	vge.f32 v15, $1.637795310e+05;
	v32 =	vadd.s32 $0x1, v26;
	v30 =	vsel vm6, v30, v21  }
0xb7: {  	v21 =	vsel vm8, $0x40, v0;
	v29 =	vsel vm8, $0x48B302C6, v1;
	vm8 =	vge.f32 v15, $0.0e+00  }
0xb8: {  	[tilespmem:$0x1FFF0] =	vst v11;
	v11 =	vld [tilespmem:s25+$0x10];
	v62 =	vsel vm10, $0x40, v0;
	v36 =	vsel vm10, $0x48B302C6, v1;
	v34 =	vadd.s32 $0x1, v30  }
0xb9: {  	vm6 =	vge.f32 v33, v29;
	v29 =	vor.u32 $0x20, v21;
	v55 =	vor.u32 $0x20, v62  }
0xba: {  	v29 =	vsel vm6, v29, v21;
	vm11 =	vge.f32 v13, $1.637795310e+05;
	v35 =	vsub.f32 v8, v12  }
0xbb: {  	v21 =	vld [tilespmem:s25+$0xFFFFFFC0];
	vm6 =	vge.f32 v16, $1.637795310e+05;
	v61 =	vor.u32 $0x10, v29;
	vm10 =	vge.f32 v14, $1.637795310e+05  }
0xbc: {  	v12 =	vld [tilespmem:s25+$0x20];
	v45 =	vsel vm11, $0x48B302C6, v1;
	v38 =	vsel vm6, $0x40, v0;
	v40 =	vsel vm6, $0x48B302C6, v1  }
0xbd: {  	vm6 =	vge.f32 v11, $1.637795310e+05;
	v42 =	vsel vm10, $0x40, v0;
	v31 =	vmul.f32 v31, v35  }
0xbe: {  	s22 =	sadd.s32 $0x80, s22;
	s23 =	sadd.s32 $0x100, s23;
	v43 =	vsel vm10, $0x48B302C6, v1;
	vm13 =	vge.f32 v13, v45;
	v49 =	vsel vm6, $0x40, v0  }
0xbf: {  	s1 =	sand.u32 $0x6000, s23;
	s26 =	sand.u32 $0xF80, s22;
	v51 =	vsel vm6, $0x48B302C6, v1;
	v57 =	vor.u32 $0x20, v38;
	v31 =	vmax.f32 v31, $0.0e+00  }
0xc0: {  	s1 =	sor.u32 s26, s1;
	v58 =	vor.u32 $0x20, v42;
	vm14 =	vge.f32 v11, v51;
	v31 =	vmin.f32 v31, $1.000000000e+00  }
0xc1: {  	v50 =	vld.idx.msk [tilespmem:v28+s15+$0x0], $0xffff;
	v60 =	vor.u32 $0x20, v49;
	vm12 =	vge.f32 v21, $1.637795310e+05;
	vm10 =	vge.f32 v12, $1.637795310e+05;
	[tilespmem:s1+$0x5070] =	vst v31  }
0xc2: {  	v47 =	vsel vm12, $0x40, v0;
	v48 =	vsel vm12, $0x48B302C6, v1;
	vm12 =	vge.f32 v14, v43;
	v46 =	vld.idx.msk [tilespmem:v61+s15+$0x0], $0xffff  }
0xc3: {  	v31 =	vsel vm11, $0x40, v0;
	v52 =	vsel vm10, $0x40, v0;
	v53 =	vsel vm10, $0x48B302C6, v1  }
0xc4: {  	v39 =	vld.idx.msk [tilespmem:v20+s15+$0x0], $0xffff;
	vm6 =	vge.f32 v21, v48;
	v63 =	vor.u32 $0x20, v47;
	vm10 =	vge.f32 v15, v36  }
0xc5: {  	v41 =	vld.idx.msk [tilespmem:v23+s15+$0x0], $0xffff;
	vm11 =	vge.f32 v16, v40;
	v40 =	vsel vm12, v58, v42;
	v42 =	vsel vm14, v60, v49  }
0xc6: {  	v8 =	vmovc v33;
	v44 =	vld.idx.msk [tilespmem:v27+s15+$0x0], $0xffff;
	vm12 =	vge.f32 v7, v50;
	vm14 =	vge.f32 v14, $0.0e+00;
	v59 =	vor.u32 $0x20, v31  }
0xc7: {  	vm0 =	vge.f32 v12, v53;
	v47 =	vsel vm6, v63, v47;
	vm15 =	vge.f32 v8, v46  }
0xc8: {  	v36 =	vld.idx.msk [tilespmem:v34+s15+$0x0], $0xffff;
	v35 =	vsel vm10, v55, v62;
	v53 =	vor.u32 $0x10, v42;
	v33 =	vsel vm15, v61, v29  }
0xc9: {  	v37 =	vld.idx.msk [tilespmem:v19+s15+$0x0], $0xffff;
	v38 =	vsel vm11, v57, v38;
	v62 =	vor.u32 $0x10, v40;
	v61 =	vor.u32 $0x8, v33  }
0xca: {  	vm6 =	vge.f32 v2, v39;
	vm10 =	vge.f32 v3, v41;
	v45 =	vor.u32 $0x10, v47  }
0xcb: {  	vm11 =	vge.f32 v5, v44;
	v31 =	vsel vm13, v59, v31;
	v46 =	vor.u32 $0x10, v35  }
0xcc: {  	v54 =	vld.idx.msk [tilespmem:v32+s15+$0x0], $0xffff;
	v49 =	vor.u32 $0x10, v38;
	v22 =	vsel vm10, v23, v22;
	vm10 =	vge.f32 v12, $0.0e+00  }
0xcd: {  	v63 =	vor.u32 $0x10, v31;
	vm13 =	vge.f32 v4, v36;
	v60 =	vld.idx.msk [tilespmem:v53+s15+$0x0], $0xffff;
	v29 =	vor.u32 $0x20, v52  }
0xce: {  	vm15 =	vge.f32 v13, $0.0e+00;
	v43 =	vsel vm0, v29, v52;
	vm0 =	vge.f32 v9, v37;
	v56 =	vld.idx.msk [tilespmem:v61+s15+$0x0], $0xffff  }
0xcf: {  	v58 =	vld.idx.msk [tilespmem:v45+s15+$0x0], $0xffff;
	v29 =	vsel vm6, v20, v18;
	v20 =	vsel vm11, v27, v24;
	v55 =	vor.u32 $0x10, v43  }
0xd0: {  	vm11 =	vge.f32 v21, $0.0e+00;
	v37 =	vsel vm0, v19, v17;
	v19 =	vsel vm12, v28, v25;
	v23 =	vld.idx.msk [tilespmem:v46+s15+$0x0], $0xffff  }
0xd1: {  	v24 =	vld.idx.msk [tilespmem:v49+s15+$0x0], $0xffff;
	vm6 =	vge.f32 v8, $0.0e+00;
	vm0 =	vge.f32 v6, v54;
	v17 =	vsel vm13, v34, v30  }
0xd2: {  	v27 =	vld.idx.msk [tilespmem:v62+s15+$0x0], $0xffff;
	v28 =	vcvt.s32.f32 v22;
	v30 =	vcvt.s32.f32 v20;
	vm13 =	vge.f32 v16, $0.0e+00  }
0xd3: {  	v59 =	vld.idx.msk [tilespmem:v63+s15+$0x0], $0xffff;
	vm12 =	vge.f32 v11, $0.0e+00;
	v18 =	vsel vm0, v32, v26;
	vm0 =	vge.f32 v8, v56  }
0xd4: {  	v25 =	vcvt.s32.f32 v37;
	v33 =	vsel vm0, v61, v33;
	vm0 =	vge.f32 v21, v58;
	v61 =	vld.idx.msk [tilespmem:v55+s15+$0x0], $0xffff  }
0xd5: {  	v58 =	vld.idx.msk [tilespmem:v19+s15+$0x0], $0xffff;
	v44 =	vadd.s32 $0x4, v33;
	v45 =	vsel vm0, v45, v47;
	vm0 =	vge.f32 v15, v23  }
0xd6: {  	v23 =	vld.idx.msk [tilespmem:v37+s15+$0x0], $0xffff;
	v47 =	vor.u32 $0x8, v45;
	v35 =	vsel vm0, v46, v35;
	vm0 =	vge.f32 v16, v24  }
0xd7: {  	v24 =	vld.idx.msk [tilespmem:v29+s15+$0x0], $0xffff;
	v46 =	vor.u32 $0x8, v35;
	v38 =	vsel vm0, v49, v38;
	vm0 =	vge.f32 v14, v27  }
0xd8: {  	v27 =	vld.idx.msk [tilespmem:v22+s15+$0x0], $0xffff;
	v49 =	vor.u32 $0x8, v38;
	v40 =	vsel vm0, v62, v40;
	vm0 =	vge.f32 v13, v59  }
0xd9: {  	v26 =	vcvt.s32.f32 v29;
	v50 =	vor.u32 $0x8, v40;
	v31 =	vsel vm0, v63, v31;
	v63 =	vld.idx.msk [tilespmem:v20+s15+$0x0], $0xffff  }
0xda: {  	v34 =	vcvt.s32.f32 v19;
	vm0 =	vge.f32 v11, v60;
	v62 =	vld.idx.msk [tilespmem:v44+s15+$0x0], $0xffff;
	v57 =	vor.u32 $0x8, v31  }
0xdb: {  	v48 =	vcvt.s32.f32 v17;
	v42 =	vsel vm0, v53, v42;
	vm0 =	vge.f32 v12, v61;
	v59 =	vld.idx.msk [tilespmem:v47+s15+$0x0], $0xffff  }
0xdc: {  	v23 =	vsub.f32 v9, v23;
	v9 =	vmovc v21;
	v53 =	vor.u32 $0x8, v42;
	v43 =	vsel vm0, v55, v43;
	v21 =	vld.idx.msk [tilespmem:v46+s15+$0x0], $0xffff  }
0xdd: {  	v39 =	vcvt.s32.f32 v18;
	v24 =	vsub.f32 v2, v24;
	v2 =	vmovc v15;
	v60 =	vor.u32 $0x8, v43;
	v15 =	vld.idx.msk [tilespmem:v49+s15+$0x0], $0xffff  }
0xde: {  	v28 =	vnsel vm3, $0xBF800000, v28;
	v30 =	vnsel vm1, $0xBF800000, v30;
	v27 =	vsub.f32 v3, v27;
	v3 =	vmovc v16;
	v16 =	vld.idx.msk [tilespmem:v50+s15+$0x0], $0xffff  }
0xdf: {  	vm3 =	vmmov vm13;
	v25 =	vnsel vm5, $0xBF800000, v25;
	v26 =	vnsel vm2, $0xBF800000, v26;
	v61 =	vld.idx.msk [tilespmem:v57+s15+$0x0], $0xffff  }
0xe0: {  	v34 =	vnsel vm9, $0xBF800000, v34;
	v48 =	vnsel vm7, $0xBF800000, v48;
	vm0 =	vge.f32 v8, v62;
	v62 =	vld [tilespmem:$0x1FFF0]  }
0xe1: {  	vm2 =	vmmov vm8;
	v36 =	vsub.f32 v7, v58;
	v41 =	vsub.f32 v5, v63;
	v5 =	vmovc v14;
	v14 =	vld.idx.msk [tilespmem:v53+s15+$0x0], $0xffff  }
0xe2: {  	vm5 =	vmmov vm11;
	v7 =	vmovc v13;
	v33 =	vsel vm0, v44, v33;
	vm0 =	vge.f32 v9, v59;
	v13 =	vld.idx.msk [tilespmem:v60+s15+$0x0], $0xffff  }
0xe3: {  	vm9 =	vmmov vm15;
	v45 =	vsel vm0, v47, v45;
	vm0 =	vge.f32 v2, v21;
	v21 =	vld.idx.msk [tilespmem:v18+s15+$0x0], $0xffff  }
0xe4: {  	vm7 =	vmmov vm10;
	v44 =	vadd.s32 $0x2, v33;
	v18 =	vld.idx.msk [tilespmem:v18+s16+$0x0], $0xffff;
	v63 =	vadd.s32 $0x4, v45  }
0xe5: {  	v35 =	vsel vm0, v46, v35;
	vm0 =	vge.f32 v3, v15;
	v15 =	vld.idx.msk [tilespmem:v17+s15+$0x0], $0xffff;
	vm1 =	vnez.u8 v62  }
0xe6: {  	v17 =	vld.idx.msk [tilespmem:v17+s16+$0x0], $0xffff;
	v38 =	vsel vm0, v49, v38;
	vm0 =	vge.f32 v5, v16;
	v10 =	vnsel vm1, $0xBF800000, v10  }
0xe7: {  	v16 =	vld.idx.msk [tilespmem:v37+s16+$0x0], $0xffff;
	v52 =	vsel vm0, v50, v40;
	vm0 =	vge.f32 v7, v61;
	[tilespmem:s1+$0x4070] =	vst v10;
	v10 =	vadd.s32 $0x4, v35  }
0xe8: {  	[tilespmem:s1+$0x4000] =	vst v25;
	v25 =	vadd.s32 $0x4, v38;
	v31 =	vsel vm0, v57, v31;
	vm0 =	vge.f32 v11, v14;
	v14 =	vld.idx.msk [tilespmem:v29+s16+$0x0], $0xffff  }
0xe9: {  	v39 =	vnsel vm4, $0xBF800000, v39;
	v40 =	vadd.s32 $0x4, v52;
	[tilespmem:s1+$0x4010] =	vst v26;
	v26 =	vadd.s32 $0x4, v31;
	v55 =	vld.idx.msk [tilespmem:v44+s15+$0x0], $0xffff  }
0xea: {  	v29 =	vsel vm0, v53, v42;
	vm0 =	vge.f32 v12, v13;
	v13 =	vld.idx.msk [tilespmem:v22+s16+$0x0], $0xffff;
	v57 =	vsub.f32 v6, v21  }
0xeb: {  	[tilespmem:s1+$0x4020] =	vst v28;
	v22 =	vld.idx.msk [tilespmem:v63+s15+$0x0], $0xffff;
	v28 =	vadd.s32 $0x4, v29;
	v56 =	vsel vm0, v60, v43;
	v58 =	vsub.f32 v4, v15  }
0xec: {  	vm4 =	vmmov vm12;
	v6 =	vmovc v11;
	v21 =	vadd.s32 $0x4, v56;
	v15 =	vmul.f32 v16, v23;
	v11 =	vld.idx.msk [tilespmem:v10+s15+$0x0], $0xffff  }
0xed: {  	vm1 =	vmmov vm14;
	v4 =	vmovc v12;
	v18 =	vmul.f32 v18, v57;
	v12 =	vld.idx.msk [tilespmem:v25+s15+$0x0], $0xffff;
	v17 =	vmul.f32 v17, v58  }
0xee: {  	v16 =	vld.idx.msk [tilespmem:v40+s15+$0x0], $0xffff;
	v15 =	vmax.f32 v15, $0.0e+00;
	v14 =	vmul.f32 v14, v24;
	vm0 =	vge.f32 v8, v55  }
0xef: {  	v23 =	vld.idx.msk [tilespmem:v26+s15+$0x0], $0xffff;
	v15 =	vmin.f32 v15, $1.000000000e+00;
	v13 =	vmul.f32 v13, v27;
	v32 =	vsel vm0, v44, v33  }
0xf0: {  	v59 =	vld.idx.msk [tilespmem:v28+s15+$0x0], $0xffff;
	v27 =	vmax.f32 v14, $0.0e+00;
	vm0 =	vge.f32 v9, v22;
	v44 =	vadd.s32 $0x1, v32  }
0xf1: {  	v22 =	vld.idx.msk [tilespmem:v21+s15+$0x0], $0xffff;
	v60 =	vmax.f32 v13, $0.0e+00;
	v45 =	vsel vm0, v63, v45;
	vm0 =	vge.f32 v2, v11  }
0xf2: {  	v20 =	vld.idx.msk [tilespmem:v20+s16+$0x0], $0xffff;
	v61 =	vadd.s32 $0x2, v45;
	v11 =	vsel vm0, v10, v35;
	vm0 =	vge.f32 v3, v12  }
0xf3: {  	[tilespmem:s1+$0x5000] =	vst v15;
	v10 =	vld.idx.msk [tilespmem:v19+s16+$0x0], $0xffff;
	v15 =	vadd.s32 $0x2, v11;
	v12 =	vsel vm0, v25, v38;
	vm0 =	vge.f32 v5, v16  }
0xf4: {  	v16 =	vadd.s32 $0x2, v12;
	v13 =	vsel vm0, v40, v52;
	vm0 =	vge.f32 v7, v23  }
0xf5: {  	[tilespmem:s1+$0x4030] =	vst v30;
	v19 =	vld.idx.msk [tilespmem:v44+s15+$0x0], $0xffff;
	v24 =	vadd.s32 $0x2, v13;
	v14 =	vsel vm0, v26, v31;
	vm0 =	vge.f32 v6, v59  }
0xf6: {  	[tilespmem:s1+$0x4050] =	vst v39;
	v25 =	vadd.s32 $0x2, v14;
	v26 =	vsel vm0, v28, v29;
	vm0 =	vge.f32 v4, v22  }
0xf7: {  	s24 =	sadd.s32 $0x8, s24;
	[tilespmem:s1+$0x4060] =	vst v48;
	v23 =	vmul.f32 v20, v41;
	v22 =	vld.idx.msk [tilespmem:v61+s15+$0x0], $0xffff;
	v29 =	vadd.s32 $0x2, v26;
	v21 =	vsel vm0, v21, v56  }
0xf8: {  	p0 =	slt.u32 s24, $0x3F8;
	v27 =	vmin.f32 v27, $1.000000000e+00;
	[tilespmem:s1+$0x4040] =	vst v34;
	v10 =	vmul.f32 v10, v36;
	v62 =	vld.idx.msk [tilespmem:v15+s15+$0x0], $0xffff;
	v30 =	vadd.s32 $0x2, v21  }
.Ltmp0:
0xf9: {  	v18 =	vmax.f32 v18, $0.0e+00;
	v28 =	vmax.f32 v23, $0.0e+00;
	[tilespmem:s1+$0x5010] =	vst v27;
	v27 =	vmin.f32 v60, $1.000000000e+00;
	v20 =	vld.idx.msk [tilespmem:v16+s15+$0x0], $0xffff;
	(pc) =	sbr.rel @p0 .LBB2_2-.Ltmp0, $4  }
0xfa: {  	vm0 =	vge.f32 v8, v19;
	[tilespmem:s1+$0x5020] =	vst v27;
	v19 =	vmin.f32 v28, $1.000000000e+00;
	v63 =	vmax.f32 v10, $0.0e+00;
	v23 =	vld.idx.msk [tilespmem:v24+s15+$0x0], $0xffff  }
0xfb: {  	v18 =	vmin.f32 v18, $1.000000000e+00;
	v28 =	vsel vm0, v44, v32;
	[tilespmem:s1+$0x5030] =	vst v19;
	v19 =	vmin.f32 v63, $1.000000000e+00;
	v27 =	vld.idx.msk [tilespmem:v25+s15+$0x0], $0xffff  }
0xfc: {  	v10 =	vcvt.s32.f32 v28;
	vm0 =	vge.f32 v9, v22;
	[tilespmem:s1+$0x5040] =	vst v19;
	v19 =	vmax.f32 v17, $0.0e+00;
	v31 =	vld.idx.msk [tilespmem:v29+s15+$0x0], $0xffff  }
0xfd: {  	s25 =	sadd.s32 $0x80, s25;
	v17 =	vsel vm0, v61, v45;
	[tilespmem:s1+$0x5050] =	vst v18;
	v22 =	vmin.f32 v19, $1.000000000e+00;
	v32 =	vld.idx.msk [tilespmem:v30+s15+$0x0], $0xffff;
	vm8 =	vge.f32 v2, v62  }
0xfe: {  	v18 =	vadd.s32 $0x1, v17  }
0xff: {  	v11 =	vsel vm8, v15, v11  }
0x100: {  	vm0 =	vge.f32 v3, v20;
	v15 =	vadd.s32 $0x1, v11  }
0x101: {  	v12 =	vsel vm0, v16, v12  }
0x102: {  	vm15 =	vge.f32 v5, v23;
	v16 =	vadd.s32 $0x1, v12  }
0x103: {  	v13 =	vsel vm15, v24, v13;
	v56 =	vld.idx.msk [tilespmem:v18+s15+$0x0], $0xffff  }
0x104: {  	vm8 =	vge.f32 v7, v27;
	v19 =	vadd.s32 $0x1, v13  }
0x105: {  	v14 =	vsel vm8, v25, v14;
	vm10 =	vge.f32 v6, v31;
	v58 =	vld.idx.msk [tilespmem:v15+s15+$0x0], $0xffff  }
0x106: {  	v54 =	vadd.s32 $0x1, v14;
	v55 =	vsel vm10, v29, v26;
	vm11 =	vge.f32 v4, v32  }
0x107: {  	v57 =	vadd.s32 $0x1, v55;
	v21 =	vsel vm11, v30, v21;
	v60 =	vld.idx.msk [tilespmem:v16+s15+$0x0], $0xffff  }
0x108: {  	v61 =	vld.idx.msk [tilespmem:v28+s15+$0x0], $0xffff;
	v59 =	vadd.s32 $0x1, v21;
	vm12 =	vge.f32 v9, v56  }
0x109: {  	v62 =	vld.idx.msk [tilespmem:v19+s15+$0x0], $0xffff;
	v17 =	vsel vm12, v18, v17  }
0x10a: {  	v34 =	vld.idx.msk [tilespmem:v28+s16+$0x0], $0xffff;
	vm13 =	vge.f32 v2, v58  }
0x10b: {  	v63 =	vld.idx.msk [tilespmem:v54+s15+$0x0], $0xffff;
	v11 =	vsel vm13, v15, v11  }
0x10c: {  	v32 =	vld.idx.msk [tilespmem:v57+s15+$0x0], $0xffff;
	vm14 =	vge.f32 v3, v60  }
0x10d: {  	v33 =	vld.idx.msk [tilespmem:v59+s15+$0x0], $0xffff;
	v12 =	vsel vm14, v16, v12  }
0x10e: {  	v8 =	vsub.f32 v8, v61;
	vm15 =	vge.f32 v5, v62;
	v35 =	vld.idx.msk [tilespmem:v17+s15+$0x0], $0xffff  }
0x10f: {  	v13 =	vsel vm15, v19, v13;
	v39 =	vld.idx.msk [tilespmem:v17+s16+$0x0], $0xffff  }
0x110: {  	v8 =	vmul.f32 v34, v8;
	vm12 =	vge.f32 v7, v63;
	v36 =	vld.idx.msk [tilespmem:v11+s15+$0x0], $0xffff  }
0x111: {  	vm13 =	vge.f32 v6, v32;
	v14 =	vsel vm12, v54, v14;
	v48 =	vld.idx.msk [tilespmem:v11+s16+$0x0], $0xffff  }
0x112: {  	s22 =	sadd.s32 $0x80, s22;
	s23 =	sadd.s32 $0x100, s23;
	v8 =	vmax.f32 v8, $0.0e+00;
	vm14 =	vge.f32 v4, v33;
	v18 =	vsel vm13, v57, v55;
	v38 =	vld.idx.msk [tilespmem:v12+s15+$0x0], $0xffff  }
0x113: {  	s23 =	sand.u32 $0x6000, s23;
	s22 =	sand.u32 $0xF80, s22;
	v44 =	vcvt.s32.f32 v11;
	v45 =	vcvt.s32.f32 v12;
	v37 =	vsel vm14, v59, v21;
	v12 =	vld.idx.msk [tilespmem:v12+s16+$0x0], $0xffff  }
0x114: {  	[tilespmem:s1+$0x5060] =	vst v22;
	s26 =	sor.u32 s22, s23;
	v8 =	vmin.f32 v8, $1.000000000e+00;
	vm15 =	vmmov vm6;
	v40 =	vld.idx.msk [tilespmem:v13+s15+$0x0], $0xffff  }
0x115: {  	[tilespmem:s26+$0x5070] =	vst v8;
	v10 =	vnsel vm15, $0xBF800000, v10;
	v47 =	vcvt.s32.f32 v13;
	v8 =	vnsel vm2, $0xBF800000, v44;
	v53 =	vld.idx.msk [tilespmem:v13+s16+$0x0], $0xffff  }
0x116: {  	v17 =	vcvt.s32.f32 v17;
	[tilespmem:s26+$0x4070] =	vst v10;
	v49 =	vcvt.s32.f32 v14;
	v22 =	vnsel vm3, $0xBF800000, v45;
	v41 =	vld.idx.msk [tilespmem:v14+s15+$0x0], $0xffff  }
0x117: {  	v50 =	vcvt.s32.f32 v18;
	[tilespmem:s26+$0x4010] =	vst v8;
	v56 =	vnsel vm1, $0xBF800000, v47;
	v42 =	vsub.f32 v9, v35;
	v43 =	vld.idx.msk [tilespmem:v18+s15+$0x0], $0xffff  }
0x118: {  	v17 =	vnsel vm5, $0xBF800000, v17;
	v51 =	vcvt.s32.f32 v37;
	[tilespmem:s26+$0x4020] =	vst v22;
	v11 =	vnsel vm9, $0xBF800000, v49;
	v46 =	vld.idx.msk [tilespmem:v37+s15+$0x0], $0xffff  }
0x119: {  	[tilespmem:s26+$0x4000] =	vst v17;
	v15 =	vnsel vm4, $0xBF800000, v50;
	v54 =	vld.idx.msk [tilespmem:v14+s16+$0x0], $0xffff;
	v2 =	vsub.f32 v2, v36;
	v9 =	vmul.f32 v39, v42  }
0x11a: {  	[tilespmem:s26+$0x4030] =	vst v56;
	v60 =	vnsel vm7, $0xBF800000, v51;
	v58 =	vld.idx.msk [tilespmem:v18+s16+$0x0], $0xffff;
	v3 =	vsub.f32 v3, v38;
	v55 =	vsub.f32 v5, v40  }
0x11b: {  	[tilespmem:s26+$0x4040] =	vst v11;
	v59 =	vld.idx.msk [tilespmem:v37+s16+$0x0], $0xffff;
	v2 =	vmul.f32 v48, v2;
	v52 =	vmax.f32 v9, $0.0e+00;
	v57 =	vsub.f32 v7, v41  }
0x11c: {  	[tilespmem:s26+$0x4050] =	vst v15;
	v3 =	vmul.f32 v12, v3;
	v8 =	vmin.f32 v52, $1.000000000e+00;
	v61 =	vsub.f32 v6, v43  }
0x11d: {  	[tilespmem:s26+$0x4060] =	vst v60;
	v2 =	vmax.f32 v2, $0.0e+00;
	v5 =	vmul.f32 v53, v55;
	v62 =	vsub.f32 v4, v46  }
0x11e: {  	[tilespmem:s26+$0x5000] =	vst v8;
	v3 =	vmax.f32 v3, $0.0e+00;
	v2 =	vmin.f32 v2, $1.000000000e+00;
	v7 =	vmul.f32 v54, v57  }
0x11f: {  	[tilespmem:s26+$0x5010] =	vst v2;
	v2 =	vmin.f32 v3, $1.000000000e+00;
	v3 =	vmax.f32 v5, $0.0e+00;
	v63 =	vmul.f32 v58, v61  }
0x120: {  	[tilespmem:s26+$0x5020] =	vst v2;
	v2 =	vmin.f32 v3, $1.000000000e+00;
	v3 =	vmax.f32 v7, $0.0e+00;
	v4 =	vmul.f32 v59, v62  }
0x121: {  	[tilespmem:s26+$0x5030] =	vst v2;
	v2 =	vmax.f32 v63, $0.0e+00;
	v3 =	vmin.f32 v3, $1.000000000e+00  }
0x122: {  	v2 =	vmin.f32 v2, $1.000000000e+00;
	[tilespmem:s26+$0x5040] =	vst v3;
	v3 =	vmax.f32 v4, $0.0e+00  }
0x123: {  	[tilespmem:s26+$0x5050] =	vst v2;
	v2 =	vmin.f32 v3, $1.000000000e+00  }
0x124: {  	s22 =	simm.s32 $0x4000;
	[tilespmem:s26+$0x5060] =	vst v2  }
0x125: {  	[hbm4b:s5+s20] =	stream.strided.scatter [tilespmem:s22], [sflag:$0x4], $0x1000, s21, s20, $0x38;
	[tilespmem:$0xC100] =	vst v63  }
0x126: {  	s23 =	simm.s32 $0x5000  }
0x127: {  	[hbm4b:s7+s20] =	stream.strided.scatter [tilespmem:s23], [sflag:$0x4], $0x1000, s21, s20, $0x38;
	[tilespmem:$0xC100] =	vst v63  }
0x128: {  	s24 =	simm.s32 $0x6000  }
0x129: {  	[hbm4b:s8+s20] =	stream.strided.scatter [tilespmem:s24], [sflag:$0x4], $0x1000, s21, s20, $0x38;
	[tilespmem:$0xC100] =	vst v63  }
0x12a: {  	s25 =	simm.s32 $0x7000  }
0x12b: {  	[hbm4b:s9+s20] =	stream.strided.scatter [tilespmem:s25], [sflag:$0x4], $0x1000, s21, s20, $0x38;
	[tilespmem:$0xC100] =	vst v63  }
0x12c: {  	s26 =	simm.s32 $0x8000  }
0x12d: {  	[hbm4b:s10+s20] =	stream.strided.scatter [tilespmem:s26], [sflag:$0x4], $0x1000, s21, s20, $0x38;
	[tilespmem:$0xC100] =	vst v63  }
0x12e: {  	_ = 	snop  }
0x12f: {  	[hbm4b:s11+s20] =	stream.strided.scatter [tilespmem:s28], [sflag:$0x4], $0x1000, s21, s20, $0x38;
	[tilespmem:$0xC100] =	vst v63  }
0x130: {  	_ = 	snop  }
0x131: {  	[hbm4b:s12+s20] =	stream.strided.scatter [tilespmem:s29], [sflag:$0x4], $0x1000, s21, s20, $0x38;
	[tilespmem:$0xC100] =	vst v63  }
0x132: {  	_ = 	snop  }
0x133: {  	[hbm4b:s13+s20] =	stream.strided.scatter [tilespmem:s30], [sflag:$0x4], $0x1000, s21, s20, $0x38;
	[tilespmem:$0xC100] =	vst v63  }
0x134: {  	_ =	swait.ge [sflag:s31], $0x1000  }
0x135: {  	[sflag:s31] =	ssyncset.done $0x0  }
0x136: {  	[sflag:s31] =	ssyncadd.s32 $0xFFFFF000  }
0x137: {  	_ =	swait.ge [sflag:s31], $0x1000  }
0x138: {  	[sflag:s31] =	ssyncset.done $0x0  }
0x139: {  	[sflag:s31] =	ssyncadd.s32 $0xFFFFF000  }
0x13a: {  	_ =	swait.ge [sflag:s31], $0x1000  }
0x13b: {  	[sflag:s31] =	ssyncset.done $0x0  }
0x13c: {  	[sflag:s31] =	ssyncadd.s32 $0xFFFFF000  }
0x13d: {  	_ =	swait.ge [sflag:s31], $0x1000  }
0x13e: {  	[sflag:s31] =	ssyncset.done $0x0  }
0x13f: {  	[sflag:s31] =	ssyncadd.s32 $0xFFFFF000  }
0x140: {  	_ =	swait.ge [sflag:s31], $0x1000  }
0x141: {  	[sflag:s31] =	ssyncset.done $0x0  }
0x142: {  	[sflag:s31] =	ssyncadd.s32 $0xFFFFF000  }
0x143: {  	_ =	swait.ge [sflag:s31], $0x1000  }
0x144: {  	[sflag:s31] =	ssyncset.done $0x0  }
0x145: {  	s0 =	sadd.s32 $0x1, s0;
	[sflag:s31] =	ssyncadd.s32 $0xFFFFF000  }
0x146: {  	p0 =	sne.s32 s0, s14;
	_ =	swait.ge [sflag:s31], $0x1000  }
.Ltmp1:
0x147: {  	[sflag:s31] =	ssyncset.done $0x0;
	(pc) =	sbr.rel @p0 .LBB2_1-.Ltmp1, $4  }
0x148: {  	[sflag:s31] =	ssyncadd.s32 $0xFFFFF000  }
0x149: {  	_ =	swait.ge [sflag:s31], $0x1000  }
0x14a: {  	[sflag:s31] =	ssyncset.done $0x0  }
0x14b: {  	[sflag:s31] =	ssyncadd.s32 $0xFFFFF000  }
0x14c: {  	_ =	sfence.sel $0x180000  }
0x14d: {  	[bflag:$0x0] =	sbarrier.arrive $0xFFFF  }
0x14e: {  	_ =	strace $0x90000047  }
0x14f: {  	s0 =	stileid.u32;
	[bflag:$0x2] =	sbarrier.arrive $0xFFFF  }
0x150: {  	p0 =	sne.s32 s0, $0x0;
	s0 =	rddreg [dreg:$0x3]  }
0x151: {  	s0 =	sadd.s32 @!p0 $0x100000, s0  }
0x152: {  	[sflag:s0] =	ssyncadd.tile.s32 @!p0 $0x1;
	_ =	shalt  }
.Lfunc_end2:
_tile_overlayer_lowered:
.L_overlay_start_2:
0x153: {  	(tag) =	ssettag $0x2  }
0x154: {  	s0 =	rddreg [dreg:$0x0];
	s2 =	stileid.u32  }
0x155: {  	s1 =	rddreg [dreg:$0x1];
	p0 =	sne.s32 s2, $0x0  }
0x156: {  	s3 =	rddreg [dreg:$0x2];
	[bflag:$0x3] =	sbarrier.arrive $0xFFFF;
	s2 =	simm.s32 @!p0 $0x1C05  }
0x157: {  	[timem:s3], [sflag:s2] =	dma.local @!p0 [hbm:s0], s1  }
0x158: {  	s0 =	simm.s32 @!p0 $0x5  }
0x159: {  	_ =	swait.ge @!p0 [sflag:s0], s1  }
0x15a: {  	s1 =	ssub.s32 @!p0 $0x0, s1;
	[sflag:s0] =	ssyncset.done @!p0 $0x0  }
0x15b: {  	[sflag:s0] =	ssyncadd.s32 @!p0 s1  }
0x15c: {  	[bflag:$0x3] =	sbarrier.arrive $0xFFFF  }
0x15d: {  	_ =	shalt  }

</sc_bundles>
